<compile_context>
chip_gen: v7x
topology: tpu7x:2x2x1
jax: 0.10.2.dev20260603
libtpu: 0.0.44.dev20260713+nightly
codegen_flags: <defaults>
</compile_context>

<pallas_src>
import jax
import jax.numpy as jnp
from jax import lax
from jax.experimental import pallas as pl
from jax.experimental.pallas import tpu as pltpu
from jax.experimental.pallas import tpu_sc as plsc

VOCAB = 100000
HIDDEN = 768
MAX_POS = 4096
EPS = 1e-12
B, S = 4, 4096
N = B * S

NC, NS = 2, 16
NW = NC * NS
SLICES = 2
NH = N // SLICES
SH = S // SLICES
TPW = NH // NW
C = 32
NB = 4
NCHUNK = TPW // C

TB = SH


def _gather_body(tid_hbm, word_hbm, out_hbm, idx_all, buf, gsem, osem):
    cid = lax.axis_index("c")
    sid = lax.axis_index("s")
    wid = sid * NC + cid
    base = wid * TPW

    pltpu.sync_copy(tid_hbm.at[pl.ds(base, TPW)], idx_all)

    def gather(c, b):
        return pltpu.make_async_copy(
            word_hbm.at[idx_all.at[pl.ds(c * C, C)]], buf.at[b], gsem.at[b])

    def out(c, b):
        return pltpu.make_async_copy(
            buf.at[b], out_hbm.at[pl.ds(base + c * C, C)], osem.at[b])

    gather(0, 0).start()
    gather(1, 1).start()

    def chunk_body(c, carry):
        b = lax.rem(c, NB)
        pb = lax.rem(c + 2, NB)

        @pl.when(c + 2 < NCHUNK)
        def _prefetch():
            @pl.when(c + 2 >= NB)
            def _free():
                out(c + 2 - NB, pb).wait()
            gather(c + 2, pb).start()

        gather(c, b).wait()
        out(c, b).start()
        return carry

    lax.fori_loop(0, NCHUNK, chunk_body, 0)
    for k in range(NB):
        cc = NCHUNK - NB + k
        out(cc, lax.rem(cc, NB)).wait()


def _ln_math(w, pos, idsf, type_ref, gamma_ref, beta_ref):
    t0 = type_ref[0, :]
    dl = type_ref[1, :] - t0
    emb = w + pos + t0[None, :] + idsf[:, None] * dl[None, :]
    mean = jnp.mean(emb, axis=-1, keepdims=True)
    cent = emb - mean
    var = jnp.mean(cent * cent, axis=-1, keepdims=True)
    normed = cent * lax.rsqrt(var + EPS)
    return normed * gamma_ref[0, :][None, :] + beta_ref[0, :][None, :]


def _ln_body(w_ref, pos_ref, ids_ref, type_ref, gamma_ref, beta_ref, o_ref):
    o_ref[...] = _ln_math(w_ref[...], pos_ref[...],
                          ids_ref[0, 0, :].astype(jnp.float32),
                          type_ref, gamma_ref, beta_ref)


def _ln_body_carry(w_ref, pos_ref, ids_ref, type_ref, gamma_ref, beta_ref,
                   carry_ref, o_ref):
    del carry_ref
    o_ref[...] = _ln_math(w_ref[...], pos_ref[...],
                          ids_ref[0, 0, :].astype(jnp.float32),
                          type_ref, gamma_ref, beta_ref)


def kernel(token_ids, token_type_ids, word_emb, pos_emb, type_emb, gamma, beta):
    tt3 = token_type_ids.reshape(N // TB, 1, TB).astype(jnp.int32)
    gamma2 = gamma.reshape(1, HIDDEN)
    beta2 = beta.reshape(1, HIDDEN)

    mesh = plsc.VectorSubcoreMesh(core_axis_name="c", subcore_axis_name="s",
                                  num_cores=NC, num_subcores=NS)
    sc_gather = pl.kernel(
        _gather_body,
        out_type=jax.ShapeDtypeStruct((NH, HIDDEN), jnp.float32),
        mesh=mesh,
        compiler_params=pltpu.CompilerParams(needs_layout_passes=False),
        scratch_types=[
            pltpu.VMEM((TPW,), jnp.int32),
            pltpu.VMEM((NB, C, HIDDEN), jnp.float32),
            pltpu.SemaphoreType.DMA((NB,)),
            pltpu.SemaphoreType.DMA((NB,)),
        ],
    )

    def make_specs(s):
        return [
            pl.BlockSpec((TB, HIDDEN), lambda b: (b, 0)),
            pl.BlockSpec((TB, HIDDEN), lambda b: (s, 0)),
            pl.BlockSpec((1, 1, TB), lambda b: (b * SLICES + s, 0, 0)),
            pl.BlockSpec((2, HIDDEN), lambda b: (0, 0)),
            pl.BlockSpec((1, HIDDEN), lambda b: (0, 0)),
            pl.BlockSpec((1, HIDDEN), lambda b: (0, 0)),
        ]

    def out_spec(s):
        return pl.BlockSpec((TB, HIDDEN), lambda b: (b * SLICES + s, 0))

    gathered = [
        sc_gather(token_ids[:, s * SH:(s + 1) * SH].reshape(NH)
                  .astype(jnp.int32), word_emb)
        for s in range(SLICES)
    ]

    acc = pl.pallas_call(
        _ln_body,
        out_shape=jax.ShapeDtypeStruct((N, HIDDEN), jnp.float32),
        grid=(B,),
        in_specs=make_specs(0),
        out_specs=out_spec(0),
    )(gathered[0], pos_emb, tt3, type_emb, gamma2, beta2)

    for s in range(1, SLICES):
        acc = pl.pallas_call(
            _ln_body_carry,
            out_shape=jax.ShapeDtypeStruct((N, HIDDEN), jnp.float32),
            grid=(B,),
            in_specs=make_specs(s) + [
                pl.BlockSpec((8, HIDDEN), lambda b: (0, 0)),
            ],
            out_specs=out_spec(s),
            input_output_aliases={6: 0},
        )(gathered[s], pos_emb, tt3, type_emb, gamma2, beta2, acc)

    return acc.reshape(B, S, HIDDEN)

# --- scband reference (transcript-rebuilt; emitter-appended) ---
"""Pipeline reference for scband-bert-embeddings-58454504898742 (READ-ONLY COPY).

The authoritative reference and input builder live on the scoring server;
editing this copy changes nothing except your own understanding.
"""

import jax, jax.numpy as jnp
import numpy as np

VOCAB = 100000
HIDDEN = 768
MAX_POS = 4096
TYPE_VOCAB = 2
EPS = 1e-12
B, S = 4, 4096


def setup_inputs(seed: int = 0) -> dict:
    key = jax.random.key(seed)
    k1, k2, k3, k4, k5 = jax.random.split(key, 5)
    token_ids = jax.random.randint(k1, (B, S), 0, VOCAB, dtype=jnp.int64 if jax.config.jax_enable_x64 else jnp.int32)
    token_type_ids = jax.random.randint(k2, (B, S), 0, TYPE_VOCAB, dtype=jnp.int64 if jax.config.jax_enable_x64 else jnp.int32)
    word_emb = jax.random.normal(k3, (VOCAB, HIDDEN), dtype=jnp.float32) * 0.02
    pos_emb = jax.random.normal(k4, (MAX_POS, HIDDEN), dtype=jnp.float32) * 0.02
    type_emb = jax.random.normal(k5, (TYPE_VOCAB, HIDDEN), dtype=jnp.float32) * 0.02
    gamma = jnp.ones((HIDDEN,), dtype=jnp.float32)
    beta = jnp.zeros((HIDDEN,), dtype=jnp.float32)
    return {
        "token_ids": token_ids,
        "token_type_ids": token_type_ids,
        "word_emb": word_emb,
        "pos_emb": pos_emb,
        "type_emb": type_emb,
        "gamma": gamma,
        "beta": beta,
    }


def reference(token_ids, token_type_ids, word_emb, pos_emb, type_emb, gamma, beta):
    batch_size, seq_len = token_ids.shape
    position_ids = jnp.arange(seq_len)[None, :]
    position_ids = jnp.broadcast_to(position_ids, (batch_size, seq_len))
    w = jnp.take(word_emb, token_ids, axis=0)
    p = jnp.take(pos_emb, position_ids, axis=0)
    t = jnp.take(type_emb, token_type_ids, axis=0)
    emb = w + p + t
    mean = jnp.mean(emb, axis=-1, keepdims=True)
    var = jnp.mean(jnp.square(emb - mean), axis=-1, keepdims=True)
    normed = (emb - mean) / jnp.sqrt(var + EPS)
    out = normed * gamma + beta
    # dropout is identity in eval mode
    return out

if __name__ == "__main__":
    import jax
    _d = setup_inputs()
    print(jax.jit(kernel)(*tuple(_d.values())))

</pallas_src>

<mosaic_0001>
#map = affine_map<(d0, d1) -> (0)>
#map1 = affine_map<(d0, d1) -> (0, 0)>
module attributes {stable_mosaic.version = 14 : i64} {
  func.func @_gather_body(%arg0: i32, %arg1: i32, %arg2: memref<8192xi32, #tpu.memory_space<hbm>>, %arg3: memref<100000x768xf32, #tpu.memory_space<hbm>>, %arg4: memref<8192x768xf32, #tpu.memory_space<hbm>>, %arg5: memref<256xi32, #tpu.memory_space<vmem>>, %arg6: memref<4x32x768xf32, #tpu.memory_space<vmem>>, %arg7: memref<4x!tpu.dma_semaphore, #tpu.memory_space<semaphore_mem>>, %arg8: memref<4x!tpu.dma_semaphore, #tpu.memory_space<semaphore_mem>>) attributes {dimension_semantics = [#tpu.dimension_semantics<core_parallel>, #tpu.dimension_semantics<subcore_parallel>], iteration_bounds = array<i64: 2, 16>, scalar_prefetch = 0 : i64, scratch_operands = 4 : i64, tpu.core_type = #tpu.core_type<sc_vector_subcore>, window_params = [{transform_indices = #map}, {transform_indices = #map1}, {transform_indices = #map1}]} {
    %mul3A = arith.constant 2 : i32
    %mul3A_0 = arith.muli %arg1, %mul3A : i32
    %add3A = arith.addi %mul3A_0, %arg0 : i32
    %mul3A_1 = arith.constant 256 : i32
    %mul3A_2 = arith.muli %add3A, %mul3A_1 : i32
    "tpu.region"() ({
      %run_scoped3A = tpu.sem_alloc : memref<!tpu.dma_semaphore, #tpu.memory_space<semaphore_mem>>
      %dma_start3A_107 = tpu.memref_slice %arg2[%mul3A_2] : memref<8192xi32, #tpu.memory_space<hbm>> -> memref<256xi32, #tpu.memory_space<hbm>>
      %dma_start3A_108 = tpu.memref_slice %arg2[%mul3A_2] : memref<8192xi32, #tpu.memory_space<hbm>> -> memref<256xi32, #tpu.memory_space<hbm>>
      tpu.enqueue_dma source(%dma_start3A_108 : memref<256xi32, #tpu.memory_space<hbm>>) target(%arg5 : memref<256xi32, #tpu.memory_space<vmem>>) target_semaphore(%run_scoped3A : memref<!tpu.dma_semaphore, #tpu.memory_space<semaphore_mem>>)
      %dma_wait3A_109 = tpu.memref_slice %arg2[%mul3A_2] : memref<8192xi32, #tpu.memory_space<hbm>> -> memref<256xi32, #tpu.memory_space<hbm>>
      %dma_wait3A_110 = tpu.memref_slice %arg2[%mul3A_2] : memref<8192xi32, #tpu.memory_space<hbm>> -> memref<256xi32, #tpu.memory_space<hbm>>
      tpu.wait_dma2 semaphore(%run_scoped3A : memref<!tpu.dma_semaphore, #tpu.memory_space<semaphore_mem>>) src(%dma_wait3A_110 : memref<256xi32, #tpu.memory_space<hbm>>) dst(%arg5 : memref<256xi32, #tpu.memory_space<vmem>>)
      tpu.yield
    }) : () -> ()
    %dma_start3A = arith.constant 0 : i32
    %dma_start3A_3 = arith.constant 0 : i32
    %dma_start3A_4 = arith.constant 0 : i32
    %dma_start3A_5 = arith.constant 0 : i32
    %dma_start3A_6 = tpu.memref_slice %arg6[%dma_start3A, %dma_start3A_4, %dma_start3A_5] : memref<4x32x768xf32, #tpu.memory_space<vmem>> -> memref<1x32x768xf32, #tpu.memory_space<vmem>>
    %dma_start3A_7 = tpu.memref_squeeze %dma_start3A_6 : memref<1x32x768xf32, #tpu.memory_space<vmem>> -> memref<32x768xf32, #tpu.memory_space<vmem>>
    %dma_start3A_8 = arith.constant 0 : i32
    %dma_start3A_9 = tpu.memref_slice %arg5[%dma_start3A_8] : memref<256xi32, #tpu.memory_space<vmem>> -> memref<32xi32, #tpu.memory_space<vmem>>
    %dma_start3A_10 = arith.constant 0 : i32
    %dma_start3A_11 = arith.constant 0 : i32
    %dma_start3A_12 = tpu.memref_slice %arg3[%dma_start3A_10, %dma_start3A_11] : memref<100000x768xf32, #tpu.memory_space<hbm>> -> memref<100000x768xf32, #tpu.memory_space<hbm>>
    %dma_start3A_13 = tpu.memref_slice %arg7[%dma_start3A_3] : memref<4x!tpu.dma_semaphore, #tpu.memory_space<semaphore_mem>> -> memref<1x!tpu.dma_semaphore, #tpu.memory_space<semaphore_mem>>
    %dma_start3A_14 = tpu.memref_squeeze %dma_start3A_13 : memref<1x!tpu.dma_semaphore, #tpu.memory_space<semaphore_mem>> -> memref<!tpu.dma_semaphore, #tpu.memory_space<semaphore_mem>>
    tpu.enqueue_indirect_dma source(%dma_start3A_12 : memref<100000x768xf32, #tpu.memory_space<hbm>>) target(%dma_start3A_7 : memref<32x768xf32, #tpu.memory_space<vmem>>) offsets(%dma_start3A_9 : memref<32xi32, #tpu.memory_space<vmem>>) semaphore(%dma_start3A_14 : memref<!tpu.dma_semaphore, #tpu.memory_space<semaphore_mem>>)
    %dma_start3A_15 = arith.constant 1 : i32
    %dma_start3A_16 = arith.constant 1 : i32
    %dma_start3A_17 = arith.constant 0 : i32
    %dma_start3A_18 = arith.constant 0 : i32
    %dma_start3A_19 = tpu.memref_slice %arg6[%dma_start3A_15, %dma_start3A_17, %dma_start3A_18] : memref<4x32x768xf32, #tpu.memory_space<vmem>> -> memref<1x32x768xf32, #tpu.memory_space<vmem>>
    %dma_start3A_20 = tpu.memref_squeeze %dma_start3A_19 : memref<1x32x768xf32, #tpu.memory_space<vmem>> -> memref<32x768xf32, #tpu.memory_space<vmem>>
    %dma_start3A_21 = arith.constant 32 : i32
    %dma_start3A_22 = tpu.memref_slice %arg5[%dma_start3A_21] : memref<256xi32, #tpu.memory_space<vmem>> -> memref<32xi32, #tpu.memory_space<vmem>>
    %dma_start3A_23 = arith.constant 0 : i32
    %dma_start3A_24 = arith.constant 0 : i32
    %dma_start3A_25 = tpu.memref_slice %arg3[%dma_start3A_23, %dma_start3A_24] : memref<100000x768xf32, #tpu.memory_space<hbm>> -> memref<100000x768xf32, #tpu.memory_space<hbm>>
    %dma_start3A_26 = tpu.memref_slice %arg7[%dma_start3A_16] : memref<4x!tpu.dma_semaphore, #tpu.memory_space<semaphore_mem>> -> memref<1x!tpu.dma_semaphore, #tpu.memory_space<semaphore_mem>>
    %dma_start3A_27 = tpu.memref_squeeze %dma_start3A_26 : memref<1x!tpu.dma_semaphore, #tpu.memory_space<semaphore_mem>> -> memref<!tpu.dma_semaphore, #tpu.memory_space<semaphore_mem>>
    tpu.enqueue_indirect_dma source(%dma_start3A_25 : memref<100000x768xf32, #tpu.memory_space<hbm>>) target(%dma_start3A_20 : memref<32x768xf32, #tpu.memory_space<vmem>>) offsets(%dma_start3A_22 : memref<32xi32, #tpu.memory_space<vmem>>) semaphore(%dma_start3A_27 : memref<!tpu.dma_semaphore, #tpu.memory_space<semaphore_mem>>)
    %scan3A = arith.constant 0 : i32
    %scan3A_28 = arith.constant 0 : i32
    %scan3A_29 = arith.constant 8 : i32
    %scan3A_30 = arith.addi %scan3A_28, %scan3A_29 : i32
    %scan3A_31 = arith.constant 1 : i32
    scf.for %scan3A_107 = %scan3A_28 to %scan3A_30 step %scan3A_31  : i32 {
      %rem3A_108 = arith.constant 4 : i32
      %rem3A_109 = arith.remsi %scan3A_107, %rem3A_108 : i32
      %add3A_110 = arith.constant 2 : i32
      %add3A_111 = arith.addi %scan3A_107, %add3A_110 : i32
      %rem3A_112 = arith.constant 4 : i32
      %rem3A_113 = arith.remsi %add3A_111, %rem3A_112 : i32
      %add3A_114 = arith.constant 2 : i32
      %add3A_115 = arith.addi %scan3A_107, %add3A_114 : i32
      %lt3A = arith.constant 8 : i32
      %lt3A_116 = arith.cmpi slt, %add3A_115, %lt3A : i32
      %convert_element_type3A = arith.extui %lt3A_116 : i1 to i32
      %cond3A = arith.constant 0 : i32
      %cond3A_117 = arith.cmpi ne, %convert_element_type3A, %cond3A : i32
      scf.if %cond3A_117 {
        %add3A_147 = arith.constant 2 : i32
        %add3A_148 = arith.addi %scan3A_107, %add3A_147 : i32
        %ge3A = arith.constant 4 : i32
        %ge3A_149 = arith.cmpi sge, %add3A_148, %ge3A : i32
        %convert_element_type3A_150 = arith.extui %ge3A_149 : i1 to i32
        %cond3A_151 = arith.constant 0 : i32
        %cond3A_152 = arith.cmpi ne, %convert_element_type3A_150, %cond3A_151 : i32
        scf.if %cond3A_152 {
          %add3A_167 = arith.constant 2 : i32
          %add3A_168 = arith.addi %scan3A_107, %add3A_167 : i32
          %sub3A = arith.constant 4 : i32
          %sub3A_169 = arith.subi %add3A_168, %sub3A : i32
          %mul3A_170 = arith.constant 32 : i32
          %mul3A_171 = arith.muli %sub3A_169, %mul3A_170 : i32
          %add3A_172 = arith.addi %mul3A_2, %mul3A_171 : i32
          %dma_wait3A_173 = arith.constant 0 : i32
          %dma_wait3A_174 = arith.constant 0 : i32
          %dma_wait3A_175 = tpu.memref_slice %arg6[%rem3A_113, %dma_wait3A_173, %dma_wait3A_174] : memref<4x32x768xf32, #tpu.memory_space<vmem>> -> memref<1x32x768xf32, #tpu.memory_space<vmem>>
          %dma_wait3A_176 = tpu.memref_squeeze %dma_wait3A_175 : memref<1x32x768xf32, #tpu.memory_space<vmem>> -> memref<32x768xf32, #tpu.memory_space<vmem>>
          %dma_wait3A_177 = arith.constant 0 : i32
          %dma_wait3A_178 = tpu.memref_slice %arg4[%add3A_172, %dma_wait3A_177] : memref<8192x768xf32, #tpu.memory_space<hbm>> -> memref<32x768xf32, #tpu.memory_space<hbm>>
          %dma_wait3A_179 = tpu.memref_slice %arg8[%rem3A_113] : memref<4x!tpu.dma_semaphore, #tpu.memory_space<semaphore_mem>> -> memref<1x!tpu.dma_semaphore, #tpu.memory_space<semaphore_mem>>
          %dma_wait3A_180 = tpu.memref_squeeze %dma_wait3A_179 : memref<1x!tpu.dma_semaphore, #tpu.memory_space<semaphore_mem>> -> memref<!tpu.dma_semaphore, #tpu.memory_space<semaphore_mem>>
          %dma_wait3A_181 = arith.constant 0 : i32
          %dma_wait3A_182 = tpu.memref_slice %arg4[%add3A_172, %dma_wait3A_181] : memref<8192x768xf32, #tpu.memory_space<hbm>> -> memref<32x768xf32, #tpu.memory_space<hbm>>
          %dma_wait3A_183 = arith.constant 0 : i32
          %dma_wait3A_184 = arith.constant 0 : i32
          %dma_wait3A_185 = tpu.memref_slice %arg6[%rem3A_113, %dma_wait3A_183, %dma_wait3A_184] : memref<4x32x768xf32, #tpu.memory_space<vmem>> -> memref<1x32x768xf32, #tpu.memory_space<vmem>>
          %dma_wait3A_186 = tpu.memref_squeeze %dma_wait3A_185 : memref<1x32x768xf32, #tpu.memory_space<vmem>> -> memref<32x768xf32, #tpu.memory_space<vmem>>
          tpu.wait_dma2 semaphore(%dma_wait3A_180 : memref<!tpu.dma_semaphore, #tpu.memory_space<semaphore_mem>>) src(%dma_wait3A_186 : memref<32x768xf32, #tpu.memory_space<vmem>>) dst(%dma_wait3A_182 : memref<32x768xf32, #tpu.memory_space<hbm>>)
        } else {
        }
        %add3A_153 = arith.constant 2 : i32
        %add3A_154 = arith.addi %scan3A_107, %add3A_153 : i32
        %mul3A_155 = arith.constant 32 : i32
        %mul3A_156 = arith.muli %add3A_154, %mul3A_155 : i32
        %dma_start3A_157 = arith.constant 0 : i32
        %dma_start3A_158 = arith.constant 0 : i32
        %dma_start3A_159 = tpu.memref_slice %arg6[%rem3A_113, %dma_start3A_157, %dma_start3A_158] : memref<4x32x768xf32, #tpu.memory_space<vmem>> -> memref<1x32x768xf32, #tpu.memory_space<vmem>>
        %dma_start3A_160 = tpu.memref_squeeze %dma_start3A_159 : memref<1x32x768xf32, #tpu.memory_space<vmem>> -> memref<32x768xf32, #tpu.memory_space<vmem>>
        %dma_start3A_161 = tpu.memref_slice %arg5[%mul3A_156] : memref<256xi32, #tpu.memory_space<vmem>> -> memref<32xi32, #tpu.memory_space<vmem>>
        %dma_start3A_162 = arith.constant 0 : i32
        %dma_start3A_163 = arith.constant 0 : i32
        %dma_start3A_164 = tpu.memref_slice %arg3[%dma_start3A_162, %dma_start3A_163] : memref<100000x768xf32, #tpu.memory_space<hbm>> -> memref<100000x768xf32, #tpu.memory_space<hbm>>
        %dma_start3A_165 = tpu.memref_slice %arg7[%rem3A_113] : memref<4x!tpu.dma_semaphore, #tpu.memory_space<semaphore_mem>> -> memref<1x!tpu.dma_semaphore, #tpu.memory_space<semaphore_mem>>
        %dma_start3A_166 = tpu.memref_squeeze %dma_start3A_165 : memref<1x!tpu.dma_semaphore, #tpu.memory_space<semaphore_mem>> -> memref<!tpu.dma_semaphore, #tpu.memory_space<semaphore_mem>>
        tpu.enqueue_indirect_dma source(%dma_start3A_164 : memref<100000x768xf32, #tpu.memory_space<hbm>>) target(%dma_start3A_160 : memref<32x768xf32, #tpu.memory_space<vmem>>) offsets(%dma_start3A_161 : memref<32xi32, #tpu.memory_space<vmem>>) semaphore(%dma_start3A_166 : memref<!tpu.dma_semaphore, #tpu.memory_space<semaphore_mem>>)
      } else {
      }
      %mul3A_118 = arith.constant 32 : i32
      %mul3A_119 = arith.muli %scan3A_107, %mul3A_118 : i32
      %dma_wait3A_120 = arith.constant 0 : i32
      %dma_wait3A_121 = arith.constant 0 : i32
      %dma_wait3A_122 = tpu.memref_slice %arg6[%rem3A_109, %dma_wait3A_120, %dma_wait3A_121] : memref<4x32x768xf32, #tpu.memory_space<vmem>> -> memref<1x32x768xf32, #tpu.memory_space<vmem>>
      %dma_wait3A_123 = tpu.memref_squeeze %dma_wait3A_122 : memref<1x32x768xf32, #tpu.memory_space<vmem>> -> memref<32x768xf32, #tpu.memory_space<vmem>>
      %dma_wait3A_124 = tpu.memref_slice %arg5[%mul3A_119] : memref<256xi32, #tpu.memory_space<vmem>> -> memref<32xi32, #tpu.memory_space<vmem>>
      %dma_wait3A_125 = arith.constant 0 : i32
      %dma_wait3A_126 = arith.constant 0 : i32
      %dma_wait3A_127 = tpu.memref_slice %arg3[%dma_wait3A_125, %dma_wait3A_126] : memref<100000x768xf32, #tpu.memory_space<hbm>> -> memref<100000x768xf32, #tpu.memory_space<hbm>>
      %dma_wait3A_128 = tpu.memref_slice %arg7[%rem3A_109] : memref<4x!tpu.dma_semaphore, #tpu.memory_space<semaphore_mem>> -> memref<1x!tpu.dma_semaphore, #tpu.memory_space<semaphore_mem>>
      %dma_wait3A_129 = tpu.memref_squeeze %dma_wait3A_128 : memref<1x!tpu.dma_semaphore, #tpu.memory_space<semaphore_mem>> -> memref<!tpu.dma_semaphore, #tpu.memory_space<semaphore_mem>>
      tpu.wait_indirect_dma semaphore(%dma_wait3A_129 : memref<!tpu.dma_semaphore, #tpu.memory_space<semaphore_mem>>) src(%dma_wait3A_127 : memref<100000x768xf32, #tpu.memory_space<hbm>>) dst(%dma_wait3A_123 : memref<32x768xf32, #tpu.memory_space<vmem>>)
      %mul3A_130 = arith.constant 32 : i32
      %mul3A_131 = arith.muli %scan3A_107, %mul3A_130 : i32
      %add3A_132 = arith.addi %mul3A_2, %mul3A_131 : i32
      %dma_start3A_133 = arith.constant 0 : i32
      %dma_start3A_134 = arith.constant 0 : i32
      %dma_start3A_135 = tpu.memref_slice %arg6[%rem3A_109, %dma_start3A_133, %dma_start3A_134] : memref<4x32x768xf32, #tpu.memory_space<vmem>> -> memref<1x32x768xf32, #tpu.memory_space<vmem>>
      %dma_start3A_136 = tpu.memref_squeeze %dma_start3A_135 : memref<1x32x768xf32, #tpu.memory_space<vmem>> -> memref<32x768xf32, #tpu.memory_space<vmem>>
      %dma_start3A_137 = arith.constant 0 : i32
      %dma_start3A_138 = tpu.memref_slice %arg4[%add3A_132, %dma_start3A_137] : memref<8192x768xf32, #tpu.memory_space<hbm>> -> memref<32x768xf32, #tpu.memory_space<hbm>>
      %dma_start3A_139 = tpu.memref_slice %arg8[%rem3A_109] : memref<4x!tpu.dma_semaphore, #tpu.memory_space<semaphore_mem>> -> memref<1x!tpu.dma_semaphore, #tpu.memory_space<semaphore_mem>>
      %dma_start3A_140 = tpu.memref_squeeze %dma_start3A_139 : memref<1x!tpu.dma_semaphore, #tpu.memory_space<semaphore_mem>> -> memref<!tpu.dma_semaphore, #tpu.memory_space<semaphore_mem>>
      %dma_start3A_141 = arith.constant 0 : i32
      %dma_start3A_142 = tpu.memref_slice %arg4[%add3A_132, %dma_start3A_141] : memref<8192x768xf32, #tpu.memory_space<hbm>> -> memref<32x768xf32, #tpu.memory_space<hbm>>
      %dma_start3A_143 = arith.constant 0 : i32
      %dma_start3A_144 = arith.constant 0 : i32
      %dma_start3A_145 = tpu.memref_slice %arg6[%rem3A_109, %dma_start3A_143, %dma_start3A_144] : memref<4x32x768xf32, #tpu.memory_space<vmem>> -> memref<1x32x768xf32, #tpu.memory_space<vmem>>
      %dma_start3A_146 = tpu.memref_squeeze %dma_start3A_145 : memref<1x32x768xf32, #tpu.memory_space<vmem>> -> memref<32x768xf32, #tpu.memory_space<vmem>>
      tpu.enqueue_dma source(%dma_start3A_146 : memref<32x768xf32, #tpu.memory_space<vmem>>) target(%dma_start3A_142 : memref<32x768xf32, #tpu.memory_space<hbm>>) target_semaphore(%dma_start3A_140 : memref<!tpu.dma_semaphore, #tpu.memory_space<semaphore_mem>>)
    }
    %scan3A_32 = arith.constant 8 : i32
    %rem3A = arith.constant 4 : i32
    %rem3A_33 = arith.constant 4 : i32
    %rem3A_34 = arith.remsi %rem3A, %rem3A_33 : i32
    %add3A_35 = arith.constant 128 : i32
    %add3A_36 = arith.addi %mul3A_2, %add3A_35 : i32
    %dma_wait3A = arith.constant 0 : i32
    %dma_wait3A_37 = arith.constant 0 : i32
    %dma_wait3A_38 = tpu.memref_slice %arg6[%rem3A_34, %dma_wait3A, %dma_wait3A_37] : memref<4x32x768xf32, #tpu.memory_space<vmem>> -> memref<1x32x768xf32, #tpu.memory_space<vmem>>
    %dma_wait3A_39 = tpu.memref_squeeze %dma_wait3A_38 : memref<1x32x768xf32, #tpu.memory_space<vmem>> -> memref<32x768xf32, #tpu.memory_space<vmem>>
    %dma_wait3A_40 = arith.constant 0 : i32
    %dma_wait3A_41 = tpu.memref_slice %arg4[%add3A_36, %dma_wait3A_40] : memref<8192x768xf32, #tpu.memory_space<hbm>> -> memref<32x768xf32, #tpu.memory_space<hbm>>
    %dma_wait3A_42 = tpu.memref_slice %arg8[%rem3A_34] : memref<4x!tpu.dma_semaphore, #tpu.memory_space<semaphore_mem>> -> memref<1x!tpu.dma_semaphore, #tpu.memory_space<semaphore_mem>>
    %dma_wait3A_43 = tpu.memref_squeeze %dma_wait3A_42 : memref<1x!tpu.dma_semaphore, #tpu.memory_space<semaphore_mem>> -> memref<!tpu.dma_semaphore, #tpu.memory_space<semaphore_mem>>
    %dma_wait3A_44 = arith.constant 0 : i32
    %dma_wait3A_45 = tpu.memref_slice %arg4[%add3A_36, %dma_wait3A_44] : memref<8192x768xf32, #tpu.memory_space<hbm>> -> memref<32x768xf32, #tpu.memory_space<hbm>>
    %dma_wait3A_46 = arith.constant 0 : i32
    %dma_wait3A_47 = arith.constant 0 : i32
    %dma_wait3A_48 = tpu.memref_slice %arg6[%rem3A_34, %dma_wait3A_46, %dma_wait3A_47] : memref<4x32x768xf32, #tpu.memory_space<vmem>> -> memref<1x32x768xf32, #tpu.memory_space<vmem>>
    %dma_wait3A_49 = tpu.memref_squeeze %dma_wait3A_48 : memref<1x32x768xf32, #tpu.memory_space<vmem>> -> memref<32x768xf32, #tpu.memory_space<vmem>>
    tpu.wait_dma2 semaphore(%dma_wait3A_43 : memref<!tpu.dma_semaphore, #tpu.memory_space<semaphore_mem>>) src(%dma_wait3A_49 : memref<32x768xf32, #tpu.memory_space<vmem>>) dst(%dma_wait3A_45 : memref<32x768xf32, #tpu.memory_space<hbm>>)
    %rem3A_50 = arith.constant 5 : i32
    %rem3A_51 = arith.constant 4 : i32
    %rem3A_52 = arith.remsi %rem3A_50, %rem3A_51 : i32
    %add3A_53 = arith.constant 160 : i32
    %add3A_54 = arith.addi %mul3A_2, %add3A_53 : i32
    %dma_wait3A_55 = arith.constant 0 : i32
    %dma_wait3A_56 = arith.constant 0 : i32
    %dma_wait3A_57 = tpu.memref_slice %arg6[%rem3A_52, %dma_wait3A_55, %dma_wait3A_56] : memref<4x32x768xf32, #tpu.memory_space<vmem>> -> memref<1x32x768xf32, #tpu.memory_space<vmem>>
    %dma_wait3A_58 = tpu.memref_squeeze %dma_wait3A_57 : memref<1x32x768xf32, #tpu.memory_space<vmem>> -> memref<32x768xf32, #tpu.memory_space<vmem>>
    %dma_wait3A_59 = arith.constant 0 : i32
    %dma_wait3A_60 = tpu.memref_slice %arg4[%add3A_54, %dma_wait3A_59] : memref<8192x768xf32, #tpu.memory_space<hbm>> -> memref<32x768xf32, #tpu.memory_space<hbm>>
    %dma_wait3A_61 = tpu.memref_slice %arg8[%rem3A_52] : memref<4x!tpu.dma_semaphore, #tpu.memory_space<semaphore_mem>> -> memref<1x!tpu.dma_semaphore, #tpu.memory_space<semaphore_mem>>
    %dma_wait3A_62 = tpu.memref_squeeze %dma_wait3A_61 : memref<1x!tpu.dma_semaphore, #tpu.memory_space<semaphore_mem>> -> memref<!tpu.dma_semaphore, #tpu.memory_space<semaphore_mem>>
    %dma_wait3A_63 = arith.constant 0 : i32
    %dma_wait3A_64 = tpu.memref_slice %arg4[%add3A_54, %dma_wait3A_63] : memref<8192x768xf32, #tpu.memory_space<hbm>> -> memref<32x768xf32, #tpu.memory_space<hbm>>
    %dma_wait3A_65 = arith.constant 0 : i32
    %dma_wait3A_66 = arith.constant 0 : i32
    %dma_wait3A_67 = tpu.memref_slice %arg6[%rem3A_52, %dma_wait3A_65, %dma_wait3A_66] : memref<4x32x768xf32, #tpu.memory_space<vmem>> -> memref<1x32x768xf32, #tpu.memory_space<vmem>>
    %dma_wait3A_68 = tpu.memref_squeeze %dma_wait3A_67 : memref<1x32x768xf32, #tpu.memory_space<vmem>> -> memref<32x768xf32, #tpu.memory_space<vmem>>
    tpu.wait_dma2 semaphore(%dma_wait3A_62 : memref<!tpu.dma_semaphore, #tpu.memory_space<semaphore_mem>>) src(%dma_wait3A_68 : memref<32x768xf32, #tpu.memory_space<vmem>>) dst(%dma_wait3A_64 : memref<32x768xf32, #tpu.memory_space<hbm>>)
    %rem3A_69 = arith.constant 6 : i32
    %rem3A_70 = arith.constant 4 : i32
    %rem3A_71 = arith.remsi %rem3A_69, %rem3A_70 : i32
    %add3A_72 = arith.constant 192 : i32
    %add3A_73 = arith.addi %mul3A_2, %add3A_72 : i32
    %dma_wait3A_74 = arith.constant 0 : i32
    %dma_wait3A_75 = arith.constant 0 : i32
    %dma_wait3A_76 = tpu.memref_slice %arg6[%rem3A_71, %dma_wait3A_74, %dma_wait3A_75] : memref<4x32x768xf32, #tpu.memory_space<vmem>> -> memref<1x32x768xf32, #tpu.memory_space<vmem>>
    %dma_wait3A_77 = tpu.memref_squeeze %dma_wait3A_76 : memref<1x32x768xf32, #tpu.memory_space<vmem>> -> memref<32x768xf32, #tpu.memory_space<vmem>>
    %dma_wait3A_78 = arith.constant 0 : i32
    %dma_wait3A_79 = tpu.memref_slice %arg4[%add3A_73, %dma_wait3A_78] : memref<8192x768xf32, #tpu.memory_space<hbm>> -> memref<32x768xf32, #tpu.memory_space<hbm>>
    %dma_wait3A_80 = tpu.memref_slice %arg8[%rem3A_71] : memref<4x!tpu.dma_semaphore, #tpu.memory_space<semaphore_mem>> -> memref<1x!tpu.dma_semaphore, #tpu.memory_space<semaphore_mem>>
    %dma_wait3A_81 = tpu.memref_squeeze %dma_wait3A_80 : memref<1x!tpu.dma_semaphore, #tpu.memory_space<semaphore_mem>> -> memref<!tpu.dma_semaphore, #tpu.memory_space<semaphore_mem>>
    %dma_wait3A_82 = arith.constant 0 : i32
    %dma_wait3A_83 = tpu.memref_slice %arg4[%add3A_73, %dma_wait3A_82] : memref<8192x768xf32, #tpu.memory_space<hbm>> -> memref<32x768xf32, #tpu.memory_space<hbm>>
    %dma_wait3A_84 = arith.constant 0 : i32
    %dma_wait3A_85 = arith.constant 0 : i32
    %dma_wait3A_86 = tpu.memref_slice %arg6[%rem3A_71, %dma_wait3A_84, %dma_wait3A_85] : memref<4x32x768xf32, #tpu.memory_space<vmem>> -> memref<1x32x768xf32, #tpu.memory_space<vmem>>
    %dma_wait3A_87 = tpu.memref_squeeze %dma_wait3A_86 : memref<1x32x768xf32, #tpu.memory_space<vmem>> -> memref<32x768xf32, #tpu.memory_space<vmem>>
    tpu.wait_dma2 semaphore(%dma_wait3A_81 : memref<!tpu.dma_semaphore, #tpu.memory_space<semaphore_mem>>) src(%dma_wait3A_87 : memref<32x768xf32, #tpu.memory_space<vmem>>) dst(%dma_wait3A_83 : memref<32x768xf32, #tpu.memory_space<hbm>>)
    %rem3A_88 = arith.constant 7 : i32
    %rem3A_89 = arith.constant 4 : i32
    %rem3A_90 = arith.remsi %rem3A_88, %rem3A_89 : i32
    %add3A_91 = arith.constant 224 : i32
    %add3A_92 = arith.addi %mul3A_2, %add3A_91 : i32
    %dma_wait3A_93 = arith.constant 0 : i32
    %dma_wait3A_94 = arith.constant 0 : i32
    %dma_wait3A_95 = tpu.memref_slice %arg6[%rem3A_90, %dma_wait3A_93, %dma_wait3A_94] : memref<4x32x768xf32, #tpu.memory_space<vmem>> -> memref<1x32x768xf32, #tpu.memory_space<vmem>>
    %dma_wait3A_96 = tpu.memref_squeeze %dma_wait3A_95 : memref<1x32x768xf32, #tpu.memory_space<vmem>> -> memref<32x768xf32, #tpu.memory_space<vmem>>
    %dma_wait3A_97 = arith.constant 0 : i32
    %dma_wait3A_98 = tpu.memref_slice %arg4[%add3A_92, %dma_wait3A_97] : memref<8192x768xf32, #tpu.memory_space<hbm>> -> memref<32x768xf32, #tpu.memory_space<hbm>>
    %dma_wait3A_99 = tpu.memref_slice %arg8[%rem3A_90] : memref<4x!tpu.dma_semaphore, #tpu.memory_space<semaphore_mem>> -> memref<1x!tpu.dma_semaphore, #tpu.memory_space<semaphore_mem>>
    %dma_wait3A_100 = tpu.memref_squeeze %dma_wait3A_99 : memref<1x!tpu.dma_semaphore, #tpu.memory_space<semaphore_mem>> -> memref<!tpu.dma_semaphore, #tpu.memory_space<semaphore_mem>>
    %dma_wait3A_101 = arith.constant 0 : i32
    %dma_wait3A_102 = tpu.memref_slice %arg4[%add3A_92, %dma_wait3A_101] : memref<8192x768xf32, #tpu.memory_space<hbm>> -> memref<32x768xf32, #tpu.memory_space<hbm>>
    %dma_wait3A_103 = arith.constant 0 : i32
    %dma_wait3A_104 = arith.constant 0 : i32
    %dma_wait3A_105 = tpu.memref_slice %arg6[%rem3A_90, %dma_wait3A_103, %dma_wait3A_104] : memref<4x32x768xf32, #tpu.memory_space<vmem>> -> memref<1x32x768xf32, #tpu.memory_space<vmem>>
    %dma_wait3A_106 = tpu.memref_squeeze %dma_wait3A_105 : memref<1x32x768xf32, #tpu.memory_space<vmem>> -> memref<32x768xf32, #tpu.memory_space<vmem>>
    tpu.wait_dma2 semaphore(%dma_wait3A_100 : memref<!tpu.dma_semaphore, #tpu.memory_space<semaphore_mem>>) src(%dma_wait3A_106 : memref<32x768xf32, #tpu.memory_space<vmem>>) dst(%dma_wait3A_102 : memref<32x768xf32, #tpu.memory_space<hbm>>)
    return
  }
}

#map = affine_map<(d0, d1) -> (0)>
#map1 = affine_map<(d0, d1) -> (0, 0)>
module attributes {stable_mosaic.version = 14 : i64} {
  func.func @_gather_body(%arg0: i32, %arg1: i32, %arg2: memref<8192xi32, #tpu.memory_space<hbm>>, %arg3: memref<100000x768xf32, #tpu.memory_space<hbm>>, %arg4: memref<8192x768xf32, #tpu.memory_space<hbm>>, %arg5: memref<256xi32, #tpu.memory_space<vmem>>, %arg6: memref<4x32x768xf32, #tpu.memory_space<vmem>>, %arg7: memref<4x!tpu.dma_semaphore, #tpu.memory_space<semaphore_mem>>, %arg8: memref<4x!tpu.dma_semaphore, #tpu.memory_space<semaphore_mem>>) attributes {dimension_semantics = [#tpu.dimension_semantics<core_parallel>, #tpu.dimension_semantics<subcore_parallel>], iteration_bounds = array<i64: 2, 16>, scalar_prefetch = 0 : i64, scratch_operands = 4 : i64, tpu.core_type = #tpu.core_type<sc_vector_subcore>, window_params = [{transform_indices = #map}, {transform_indices = #map1}, {transform_indices = #map1}]} {
    %mul3A = arith.constant 2 : i32
    %mul3A_0 = arith.muli %arg1, %mul3A : i32
    %add3A = arith.addi %mul3A_0, %arg0 : i32
    %mul3A_1 = arith.constant 256 : i32
    %mul3A_2 = arith.muli %add3A, %mul3A_1 : i32
    "tpu.region"() ({
      %run_scoped3A = tpu.sem_alloc : memref<!tpu.dma_semaphore, #tpu.memory_space<semaphore_mem>>
      %dma_start3A_107 = tpu.memref_slice %arg2[%mul3A_2] : memref<8192xi32, #tpu.memory_space<hbm>> -> memref<256xi32, #tpu.memory_space<hbm>>
      %dma_start3A_108 = tpu.memref_slice %arg2[%mul3A_2] : memref<8192xi32, #tpu.memory_space<hbm>> -> memref<256xi32, #tpu.memory_space<hbm>>
      tpu.enqueue_dma source(%dma_start3A_108 : memref<256xi32, #tpu.memory_space<hbm>>) target(%arg5 : memref<256xi32, #tpu.memory_space<vmem>>) target_semaphore(%run_scoped3A : memref<!tpu.dma_semaphore, #tpu.memory_space<semaphore_mem>>)
      %dma_wait3A_109 = tpu.memref_slice %arg2[%mul3A_2] : memref<8192xi32, #tpu.memory_space<hbm>> -> memref<256xi32, #tpu.memory_space<hbm>>
      %dma_wait3A_110 = tpu.memref_slice %arg2[%mul3A_2] : memref<8192xi32, #tpu.memory_space<hbm>> -> memref<256xi32, #tpu.memory_space<hbm>>
      tpu.wait_dma2 semaphore(%run_scoped3A : memref<!tpu.dma_semaphore, #tpu.memory_space<semaphore_mem>>) src(%dma_wait3A_110 : memref<256xi32, #tpu.memory_space<hbm>>) dst(%arg5 : memref<256xi32, #tpu.memory_space<vmem>>)
      tpu.yield
    }) : () -> ()
    %dma_start3A = arith.constant 0 : i32
    %dma_start3A_3 = arith.constant 0 : i32
    %dma_start3A_4 = arith.constant 0 : i32
    %dma_start3A_5 = arith.constant 0 : i32
    %dma_start3A_6 = tpu.memref_slice %arg6[%dma_start3A, %dma_start3A_4, %dma_start3A_5] : memref<4x32x768xf32, #tpu.memory_space<vmem>> -> memref<1x32x768xf32, #tpu.memory_space<vmem>>
    %dma_start3A_7 = tpu.memref_squeeze %dma_start3A_6 : memref<1x32x768xf32, #tpu.memory_space<vmem>> -> memref<32x768xf32, #tpu.memory_space<vmem>>
    %dma_start3A_8 = arith.constant 0 : i32
    %dma_start3A_9 = tpu.memref_slice %arg5[%dma_start3A_8] : memref<256xi32, #tpu.memory_space<vmem>> -> memref<32xi32, #tpu.memory_space<vmem>>
    %dma_start3A_10 = arith.constant 0 : i32
    %dma_start3A_11 = arith.constant 0 : i32
    %dma_start3A_12 = tpu.memref_slice %arg3[%dma_start3A_10, %dma_start3A_11] : memref<100000x768xf32, #tpu.memory_space<hbm>> -> memref<100000x768xf32, #tpu.memory_space<hbm>>
    %dma_start3A_13 = tpu.memref_slice %arg7[%dma_start3A_3] : memref<4x!tpu.dma_semaphore, #tpu.memory_space<semaphore_mem>> -> memref<1x!tpu.dma_semaphore, #tpu.memory_space<semaphore_mem>>
    %dma_start3A_14 = tpu.memref_squeeze %dma_start3A_13 : memref<1x!tpu.dma_semaphore, #tpu.memory_space<semaphore_mem>> -> memref<!tpu.dma_semaphore, #tpu.memory_space<semaphore_mem>>
    tpu.enqueue_indirect_dma source(%dma_start3A_12 : memref<100000x768xf32, #tpu.memory_space<hbm>>) target(%dma_start3A_7 : memref<32x768xf32, #tpu.memory_space<vmem>>) offsets(%dma_start3A_9 : memref<32xi32, #tpu.memory_space<vmem>>) semaphore(%dma_start3A_14 : memref<!tpu.dma_semaphore, #tpu.memory_space<semaphore_mem>>)
    %dma_start3A_15 = arith.constant 1 : i32
    %dma_start3A_16 = arith.constant 1 : i32
    %dma_start3A_17 = arith.constant 0 : i32
    %dma_start3A_18 = arith.constant 0 : i32
    %dma_start3A_19 = tpu.memref_slice %arg6[%dma_start3A_15, %dma_start3A_17, %dma_start3A_18] : memref<4x32x768xf32, #tpu.memory_space<vmem>> -> memref<1x32x768xf32, #tpu.memory_space<vmem>>
    %dma_start3A_20 = tpu.memref_squeeze %dma_start3A_19 : memref<1x32x768xf32, #tpu.memory_space<vmem>> -> memref<32x768xf32, #tpu.memory_space<vmem>>
    %dma_start3A_21 = arith.constant 32 : i32
    %dma_start3A_22 = tpu.memref_slice %arg5[%dma_start3A_21] : memref<256xi32, #tpu.memory_space<vmem>> -> memref<32xi32, #tpu.memory_space<vmem>>
    %dma_start3A_23 = arith.constant 0 : i32
    %dma_start3A_24 = arith.constant 0 : i32
    %dma_start3A_25 = tpu.memref_slice %arg3[%dma_start3A_23, %dma_start3A_24] : memref<100000x768xf32, #tpu.memory_space<hbm>> -> memref<100000x768xf32, #tpu.memory_space<hbm>>
    %dma_start3A_26 = tpu.memref_slice %arg7[%dma_start3A_16] : memref<4x!tpu.dma_semaphore, #tpu.memory_space<semaphore_mem>> -> memref<1x!tpu.dma_semaphore, #tpu.memory_space<semaphore_mem>>
    %dma_start3A_27 = tpu.memref_squeeze %dma_start3A_26 : memref<1x!tpu.dma_semaphore, #tpu.memory_space<semaphore_mem>> -> memref<!tpu.dma_semaphore, #tpu.memory_space<semaphore_mem>>
    tpu.enqueue_indirect_dma source(%dma_start3A_25 : memref<100000x768xf32, #tpu.memory_space<hbm>>) target(%dma_start3A_20 : memref<32x768xf32, #tpu.memory_space<vmem>>) offsets(%dma_start3A_22 : memref<32xi32, #tpu.memory_space<vmem>>) semaphore(%dma_start3A_27 : memref<!tpu.dma_semaphore, #tpu.memory_space<semaphore_mem>>)
    %scan3A = arith.constant 0 : i32
    %scan3A_28 = arith.constant 0 : i32
    %scan3A_29 = arith.constant 8 : i32
    %scan3A_30 = arith.addi %scan3A_28, %scan3A_29 : i32
    %scan3A_31 = arith.constant 1 : i32
    scf.for %scan3A_107 = %scan3A_28 to %scan3A_30 step %scan3A_31  : i32 {
      %rem3A_108 = arith.constant 4 : i32
      %rem3A_109 = arith.remsi %scan3A_107, %rem3A_108 : i32
      %add3A_110 = arith.constant 2 : i32
      %add3A_111 = arith.addi %scan3A_107, %add3A_110 : i32
      %rem3A_112 = arith.constant 4 : i32
      %rem3A_113 = arith.remsi %add3A_111, %rem3A_112 : i32
      %add3A_114 = arith.constant 2 : i32
      %add3A_115 = arith.addi %scan3A_107, %add3A_114 : i32
      %lt3A = arith.constant 8 : i32
      %lt3A_116 = arith.cmpi slt, %add3A_115, %lt3A : i32
      %convert_element_type3A = arith.extui %lt3A_116 : i1 to i32
      %cond3A = arith.constant 0 : i32
      %cond3A_117 = arith.cmpi ne, %convert_element_type3A, %cond3A : i32
      scf.if %cond3A_117 {
        %add3A_147 = arith.constant 2 : i32
        %add3A_148 = arith.addi %scan3A_107, %add3A_147 : i32
        %ge3A = arith.constant 4 : i32
        %ge3A_149 = arith.cmpi sge, %add3A_148, %ge3A : i32
        %convert_element_type3A_150 = arith.extui %ge3A_149 : i1 to i32
        %cond3A_151 = arith.constant 0 : i32
        %cond3A_152 = arith.cmpi ne, %convert_element_type3A_150, %cond3A_151 : i32
        scf.if %cond3A_152 {
          %add3A_167 = arith.constant 2 : i32
          %add3A_168 = arith.addi %scan3A_107, %add3A_167 : i32
          %sub3A = arith.constant 4 : i32
          %sub3A_169 = arith.subi %add3A_168, %sub3A : i32
          %mul3A_170 = arith.constant 32 : i32
          %mul3A_171 = arith.muli %sub3A_169, %mul3A_170 : i32
          %add3A_172 = arith.addi %mul3A_2, %mul3A_171 : i32
          %dma_wait3A_173 = arith.constant 0 : i32
          %dma_wait3A_174 = arith.constant 0 : i32
          %dma_wait3A_175 = tpu.memref_slice %arg6[%rem3A_113, %dma_wait3A_173, %dma_wait3A_174] : memref<4x32x768xf32, #tpu.memory_space<vmem>> -> memref<1x32x768xf32, #tpu.memory_space<vmem>>
          %dma_wait3A_176 = tpu.memref_squeeze %dma_wait3A_175 : memref<1x32x768xf32, #tpu.memory_space<vmem>> -> memref<32x768xf32, #tpu.memory_space<vmem>>
          %dma_wait3A_177 = arith.constant 0 : i32
          %dma_wait3A_178 = tpu.memref_slice %arg4[%add3A_172, %dma_wait3A_177] : memref<8192x768xf32, #tpu.memory_space<hbm>> -> memref<32x768xf32, #tpu.memory_space<hbm>>
          %dma_wait3A_179 = tpu.memref_slice %arg8[%rem3A_113] : memref<4x!tpu.dma_semaphore, #tpu.memory_space<semaphore_mem>> -> memref<1x!tpu.dma_semaphore, #tpu.memory_space<semaphore_mem>>
          %dma_wait3A_180 = tpu.memref_squeeze %dma_wait3A_179 : memref<1x!tpu.dma_semaphore, #tpu.memory_space<semaphore_mem>> -> memref<!tpu.dma_semaphore, #tpu.memory_space<semaphore_mem>>
          %dma_wait3A_181 = arith.constant 0 : i32
          %dma_wait3A_182 = tpu.memref_slice %arg4[%add3A_172, %dma_wait3A_181] : memref<8192x768xf32, #tpu.memory_space<hbm>> -> memref<32x768xf32, #tpu.memory_space<hbm>>
          %dma_wait3A_183 = arith.constant 0 : i32
          %dma_wait3A_184 = arith.constant 0 : i32
          %dma_wait3A_185 = tpu.memref_slice %arg6[%rem3A_113, %dma_wait3A_183, %dma_wait3A_184] : memref<4x32x768xf32, #tpu.memory_space<vmem>> -> memref<1x32x768xf32, #tpu.memory_space<vmem>>
          %dma_wait3A_186 = tpu.memref_squeeze %dma_wait3A_185 : memref<1x32x768xf32, #tpu.memory_space<vmem>> -> memref<32x768xf32, #tpu.memory_space<vmem>>
          tpu.wait_dma2 semaphore(%dma_wait3A_180 : memref<!tpu.dma_semaphore, #tpu.memory_space<semaphore_mem>>) src(%dma_wait3A_186 : memref<32x768xf32, #tpu.memory_space<vmem>>) dst(%dma_wait3A_182 : memref<32x768xf32, #tpu.memory_space<hbm>>)
        } else {
        }
        %add3A_153 = arith.constant 2 : i32
        %add3A_154 = arith.addi %scan3A_107, %add3A_153 : i32
        %mul3A_155 = arith.constant 32 : i32
        %mul3A_156 = arith.muli %add3A_154, %mul3A_155 : i32
        %dma_start3A_157 = arith.constant 0 : i32
        %dma_start3A_158 = arith.constant 0 : i32
        %dma_start3A_159 = tpu.memref_slice %arg6[%rem3A_113, %dma_start3A_157, %dma_start3A_158] : memref<4x32x768xf32, #tpu.memory_space<vmem>> -> memref<1x32x768xf32, #tpu.memory_space<vmem>>
        %dma_start3A_160 = tpu.memref_squeeze %dma_start3A_159 : memref<1x32x768xf32, #tpu.memory_space<vmem>> -> memref<32x768xf32, #tpu.memory_space<vmem>>
        %dma_start3A_161 = tpu.memref_slice %arg5[%mul3A_156] : memref<256xi32, #tpu.memory_space<vmem>> -> memref<32xi32, #tpu.memory_space<vmem>>
        %dma_start3A_162 = arith.constant 0 : i32
        %dma_start3A_163 = arith.constant 0 : i32
        %dma_start3A_164 = tpu.memref_slice %arg3[%dma_start3A_162, %dma_start3A_163] : memref<100000x768xf32, #tpu.memory_space<hbm>> -> memref<100000x768xf32, #tpu.memory_space<hbm>>
        %dma_start3A_165 = tpu.memref_slice %arg7[%rem3A_113] : memref<4x!tpu.dma_semaphore, #tpu.memory_space<semaphore_mem>> -> memref<1x!tpu.dma_semaphore, #tpu.memory_space<semaphore_mem>>
        %dma_start3A_166 = tpu.memref_squeeze %dma_start3A_165 : memref<1x!tpu.dma_semaphore, #tpu.memory_space<semaphore_mem>> -> memref<!tpu.dma_semaphore, #tpu.memory_space<semaphore_mem>>
        tpu.enqueue_indirect_dma source(%dma_start3A_164 : memref<100000x768xf32, #tpu.memory_space<hbm>>) target(%dma_start3A_160 : memref<32x768xf32, #tpu.memory_space<vmem>>) offsets(%dma_start3A_161 : memref<32xi32, #tpu.memory_space<vmem>>) semaphore(%dma_start3A_166 : memref<!tpu.dma_semaphore, #tpu.memory_space<semaphore_mem>>)
      } else {
      }
      %mul3A_118 = arith.constant 32 : i32
      %mul3A_119 = arith.muli %scan3A_107, %mul3A_118 : i32
      %dma_wait3A_120 = arith.constant 0 : i32
      %dma_wait3A_121 = arith.constant 0 : i32
      %dma_wait3A_122 = tpu.memref_slice %arg6[%rem3A_109, %dma_wait3A_120, %dma_wait3A_121] : memref<4x32x768xf32, #tpu.memory_space<vmem>> -> memref<1x32x768xf32, #tpu.memory_space<vmem>>
      %dma_wait3A_123 = tpu.memref_squeeze %dma_wait3A_122 : memref<1x32x768xf32, #tpu.memory_space<vmem>> -> memref<32x768xf32, #tpu.memory_space<vmem>>
      %dma_wait3A_124 = tpu.memref_slice %arg5[%mul3A_119] : memref<256xi32, #tpu.memory_space<vmem>> -> memref<32xi32, #tpu.memory_space<vmem>>
      %dma_wait3A_125 = arith.constant 0 : i32
      %dma_wait3A_126 = arith.constant 0 : i32
      %dma_wait3A_127 = tpu.memref_slice %arg3[%dma_wait3A_125, %dma_wait3A_126] : memref<100000x768xf32, #tpu.memory_space<hbm>> -> memref<100000x768xf32, #tpu.memory_space<hbm>>
      %dma_wait3A_128 = tpu.memref_slice %arg7[%rem3A_109] : memref<4x!tpu.dma_semaphore, #tpu.memory_space<semaphore_mem>> -> memref<1x!tpu.dma_semaphore, #tpu.memory_space<semaphore_mem>>
      %dma_wait3A_129 = tpu.memref_squeeze %dma_wait3A_128 : memref<1x!tpu.dma_semaphore, #tpu.memory_space<semaphore_mem>> -> memref<!tpu.dma_semaphore, #tpu.memory_space<semaphore_mem>>
      tpu.wait_indirect_dma semaphore(%dma_wait3A_129 : memref<!tpu.dma_semaphore, #tpu.memory_space<semaphore_mem>>) src(%dma_wait3A_127 : memref<100000x768xf32, #tpu.memory_space<hbm>>) dst(%dma_wait3A_123 : memref<32x768xf32, #tpu.memory_space<vmem>>)
      %mul3A_130 = arith.constant 32 : i32
      %mul3A_131 = arith.muli %scan3A_107, %mul3A_130 : i32
      %add3A_132 = arith.addi %mul3A_2, %mul3A_131 : i32
      %dma_start3A_133 = arith.constant 0 : i32
      %dma_start3A_134 = arith.constant 0 : i32
      %dma_start3A_135 = tpu.memref_slice %arg6[%rem3A_109, %dma_start3A_133, %dma_start3A_134] : memref<4x32x768xf32, #tpu.memory_space<vmem>> -> memref<1x32x768xf32, #tpu.memory_space<vmem>>
      %dma_start3A_136 = tpu.memref_squeeze %dma_start3A_135 : memref<1x32x768xf32, #tpu.memory_space<vmem>> -> memref<32x768xf32, #tpu.memory_space<vmem>>
      %dma_start3A_137 = arith.constant 0 : i32
      %dma_start3A_138 = tpu.memref_slice %arg4[%add3A_132, %dma_start3A_137] : memref<8192x768xf32, #tpu.memory_space<hbm>> -> memref<32x768xf32, #tpu.memory_space<hbm>>
      %dma_start3A_139 = tpu.memref_slice %arg8[%rem3A_109] : memref<4x!tpu.dma_semaphore, #tpu.memory_space<semaphore_mem>> -> memref<1x!tpu.dma_semaphore, #tpu.memory_space<semaphore_mem>>
      %dma_start3A_140 = tpu.memref_squeeze %dma_start3A_139 : memref<1x!tpu.dma_semaphore, #tpu.memory_space<semaphore_mem>> -> memref<!tpu.dma_semaphore, #tpu.memory_space<semaphore_mem>>
      %dma_start3A_141 = arith.constant 0 : i32
      %dma_start3A_142 = tpu.memref_slice %arg4[%add3A_132, %dma_start3A_141] : memref<8192x768xf32, #tpu.memory_space<hbm>> -> memref<32x768xf32, #tpu.memory_space<hbm>>
      %dma_start3A_143 = arith.constant 0 : i32
      %dma_start3A_144 = arith.constant 0 : i32
      %dma_start3A_145 = tpu.memref_slice %arg6[%rem3A_109, %dma_start3A_143, %dma_start3A_144] : memref<4x32x768xf32, #tpu.memory_space<vmem>> -> memref<1x32x768xf32, #tpu.memory_space<vmem>>
      %dma_start3A_146 = tpu.memref_squeeze %dma_start3A_145 : memref<1x32x768xf32, #tpu.memory_space<vmem>> -> memref<32x768xf32, #tpu.memory_space<vmem>>
      tpu.enqueue_dma source(%dma_start3A_146 : memref<32x768xf32, #tpu.memory_space<vmem>>) target(%dma_start3A_142 : memref<32x768xf32, #tpu.memory_space<hbm>>) target_semaphore(%dma_start3A_140 : memref<!tpu.dma_semaphore, #tpu.memory_space<semaphore_mem>>)
    }
    %scan3A_32 = arith.constant 8 : i32
    %rem3A = arith.constant 4 : i32
    %rem3A_33 = arith.constant 4 : i32
    %rem3A_34 = arith.remsi %rem3A, %rem3A_33 : i32
    %add3A_35 = arith.constant 128 : i32
    %add3A_36 = arith.addi %mul3A_2, %add3A_35 : i32
    %dma_wait3A = arith.constant 0 : i32
    %dma_wait3A_37 = arith.constant 0 : i32
    %dma_wait3A_38 = tpu.memref_slice %arg6[%rem3A_34, %dma_wait3A, %dma_wait3A_37] : memref<4x32x768xf32, #tpu.memory_space<vmem>> -> memref<1x32x768xf32, #tpu.memory_space<vmem>>
    %dma_wait3A_39 = tpu.memref_squeeze %dma_wait3A_38 : memref<1x32x768xf32, #tpu.memory_space<vmem>> -> memref<32x768xf32, #tpu.memory_space<vmem>>
    %dma_wait3A_40 = arith.constant 0 : i32
    %dma_wait3A_41 = tpu.memref_slice %arg4[%add3A_36, %dma_wait3A_40] : memref<8192x768xf32, #tpu.memory_space<hbm>> -> memref<32x768xf32, #tpu.memory_space<hbm>>
    %dma_wait3A_42 = tpu.memref_slice %arg8[%rem3A_34] : memref<4x!tpu.dma_semaphore, #tpu.memory_space<semaphore_mem>> -> memref<1x!tpu.dma_semaphore, #tpu.memory_space<semaphore_mem>>
    %dma_wait3A_43 = tpu.memref_squeeze %dma_wait3A_42 : memref<1x!tpu.dma_semaphore, #tpu.memory_space<semaphore_mem>> -> memref<!tpu.dma_semaphore, #tpu.memory_space<semaphore_mem>>
    %dma_wait3A_44 = arith.constant 0 : i32
    %dma_wait3A_45 = tpu.memref_slice %arg4[%add3A_36, %dma_wait3A_44] : memref<8192x768xf32, #tpu.memory_space<hbm>> -> memref<32x768xf32, #tpu.memory_space<hbm>>
    %dma_wait3A_46 = arith.constant 0 : i32
    %dma_wait3A_47 = arith.constant 0 : i32
    %dma_wait3A_48 = tpu.memref_slice %arg6[%rem3A_34, %dma_wait3A_46, %dma_wait3A_47] : memref<4x32x768xf32, #tpu.memory_space<vmem>> -> memref<1x32x768xf32, #tpu.memory_space<vmem>>
    %dma_wait3A_49 = tpu.memref_squeeze %dma_wait3A_48 : memref<1x32x768xf32, #tpu.memory_space<vmem>> -> memref<32x768xf32, #tpu.memory_space<vmem>>
    tpu.wait_dma2 semaphore(%dma_wait3A_43 : memref<!tpu.dma_semaphore, #tpu.memory_space<semaphore_mem>>) src(%dma_wait3A_49 : memref<32x768xf32, #tpu.memory_space<vmem>>) dst(%dma_wait3A_45 : memref<32x768xf32, #tpu.memory_space<hbm>>)
    %rem3A_50 = arith.constant 5 : i32
    %rem3A_51 = arith.constant 4 : i32
    %rem3A_52 = arith.remsi %rem3A_50, %rem3A_51 : i32
    %add3A_53 = arith.constant 160 : i32
    %add3A_54 = arith.addi %mul3A_2, %add3A_53 : i32
    %dma_wait3A_55 = arith.constant 0 : i32
    %dma_wait3A_56 = arith.constant 0 : i32
    %dma_wait3A_57 = tpu.memref_slice %arg6[%rem3A_52, %dma_wait3A_55, %dma_wait3A_56] : memref<4x32x768xf32, #tpu.memory_space<vmem>> -> memref<1x32x768xf32, #tpu.memory_space<vmem>>
    %dma_wait3A_58 = tpu.memref_squeeze %dma_wait3A_57 : memref<1x32x768xf32, #tpu.memory_space<vmem>> -> memref<32x768xf32, #tpu.memory_space<vmem>>
    %dma_wait3A_59 = arith.constant 0 : i32
    %dma_wait3A_60 = tpu.memref_slice %arg4[%add3A_54, %dma_wait3A_59] : memref<8192x768xf32, #tpu.memory_space<hbm>> -> memref<32x768xf32, #tpu.memory_space<hbm>>
    %dma_wait3A_61 = tpu.memref_slice %arg8[%rem3A_52] : memref<4x!tpu.dma_semaphore, #tpu.memory_space<semaphore_mem>> -> memref<1x!tpu.dma_semaphore, #tpu.memory_space<semaphore_mem>>
    %dma_wait3A_62 = tpu.memref_squeeze %dma_wait3A_61 : memref<1x!tpu.dma_semaphore, #tpu.memory_space<semaphore_mem>> -> memref<!tpu.dma_semaphore, #tpu.memory_space<semaphore_mem>>
    %dma_wait3A_63 = arith.constant 0 : i32
    %dma_wait3A_64 = tpu.memref_slice %arg4[%add3A_54, %dma_wait3A_63] : memref<8192x768xf32, #tpu.memory_space<hbm>> -> memref<32x768xf32, #tpu.memory_space<hbm>>
    %dma_wait3A_65 = arith.constant 0 : i32
    %dma_wait3A_66 = arith.constant 0 : i32
    %dma_wait3A_67 = tpu.memref_slice %arg6[%rem3A_52, %dma_wait3A_65, %dma_wait3A_66] : memref<4x32x768xf32, #tpu.memory_space<vmem>> -> memref<1x32x768xf32, #tpu.memory_space<vmem>>
    %dma_wait3A_68 = tpu.memref_squeeze %dma_wait3A_67 : memref<1x32x768xf32, #tpu.memory_space<vmem>> -> memref<32x768xf32, #tpu.memory_space<vmem>>
    tpu.wait_dma2 semaphore(%dma_wait3A_62 : memref<!tpu.dma_semaphore, #tpu.memory_space<semaphore_mem>>) src(%dma_wait3A_68 : memref<32x768xf32, #tpu.memory_space<vmem>>) dst(%dma_wait3A_64 : memref<32x768xf32, #tpu.memory_space<hbm>>)
    %rem3A_69 = arith.constant 6 : i32
    %rem3A_70 = arith.constant 4 : i32
    %rem3A_71 = arith.remsi %rem3A_69, %rem3A_70 : i32
    %add3A_72 = arith.constant 192 : i32
    %add3A_73 = arith.addi %mul3A_2, %add3A_72 : i32
    %dma_wait3A_74 = arith.constant 0 : i32
    %dma_wait3A_75 = arith.constant 0 : i32
    %dma_wait3A_76 = tpu.memref_slice %arg6[%rem3A_71, %dma_wait3A_74, %dma_wait3A_75] : memref<4x32x768xf32, #tpu.memory_space<vmem>> -> memref<1x32x768xf32, #tpu.memory_space<vmem>>
    %dma_wait3A_77 = tpu.memref_squeeze %dma_wait3A_76 : memref<1x32x768xf32, #tpu.memory_space<vmem>> -> memref<32x768xf32, #tpu.memory_space<vmem>>
    %dma_wait3A_78 = arith.constant 0 : i32
    %dma_wait3A_79 = tpu.memref_slice %arg4[%add3A_73, %dma_wait3A_78] : memref<8192x768xf32, #tpu.memory_space<hbm>> -> memref<32x768xf32, #tpu.memory_space<hbm>>
    %dma_wait3A_80 = tpu.memref_slice %arg8[%rem3A_71] : memref<4x!tpu.dma_semaphore, #tpu.memory_space<semaphore_mem>> -> memref<1x!tpu.dma_semaphore, #tpu.memory_space<semaphore_mem>>
    %dma_wait3A_81 = tpu.memref_squeeze %dma_wait3A_80 : memref<1x!tpu.dma_semaphore, #tpu.memory_space<semaphore_mem>> -> memref<!tpu.dma_semaphore, #tpu.memory_space<semaphore_mem>>
    %dma_wait3A_82 = arith.constant 0 : i32
    %dma_wait3A_83 = tpu.memref_slice %arg4[%add3A_73, %dma_wait3A_82] : memref<8192x768xf32, #tpu.memory_space<hbm>> -> memref<32x768xf32, #tpu.memory_space<hbm>>
    %dma_wait3A_84 = arith.constant 0 : i32
    %dma_wait3A_85 = arith.constant 0 : i32
    %dma_wait3A_86 = tpu.memref_slice %arg6[%rem3A_71, %dma_wait3A_84, %dma_wait3A_85] : memref<4x32x768xf32, #tpu.memory_space<vmem>> -> memref<1x32x768xf32, #tpu.memory_space<vmem>>
    %dma_wait3A_87 = tpu.memref_squeeze %dma_wait3A_86 : memref<1x32x768xf32, #tpu.memory_space<vmem>> -> memref<32x768xf32, #tpu.memory_space<vmem>>
    tpu.wait_dma2 semaphore(%dma_wait3A_81 : memref<!tpu.dma_semaphore, #tpu.memory_space<semaphore_mem>>) src(%dma_wait3A_87 : memref<32x768xf32, #tpu.memory_space<vmem>>) dst(%dma_wait3A_83 : memref<32x768xf32, #tpu.memory_space<hbm>>)
    %rem3A_88 = arith.constant 7 : i32
    %rem3A_89 = arith.constant 4 : i32
    %rem3A_90 = arith.remsi %rem3A_88, %rem3A_89 : i32
    %add3A_91 = arith.constant 224 : i32
    %add3A_92 = arith.addi %mul3A_2, %add3A_91 : i32
    %dma_wait3A_93 = arith.constant 0 : i32
    %dma_wait3A_94 = arith.constant 0 : i32
    %dma_wait3A_95 = tpu.memref_slice %arg6[%rem3A_90, %dma_wait3A_93, %dma_wait3A_94] : memref<4x32x768xf32, #tpu.memory_space<vmem>> -> memref<1x32x768xf32, #tpu.memory_space<vmem>>
    %dma_wait3A_96 = tpu.memref_squeeze %dma_wait3A_95 : memref<1x32x768xf32, #tpu.memory_space<vmem>> -> memref<32x768xf32, #tpu.memory_space<vmem>>
    %dma_wait3A_97 = arith.constant 0 : i32
    %dma_wait3A_98 = tpu.memref_slice %arg4[%add3A_92, %dma_wait3A_97] : memref<8192x768xf32, #tpu.memory_space<hbm>> -> memref<32x768xf32, #tpu.memory_space<hbm>>
    %dma_wait3A_99 = tpu.memref_slice %arg8[%rem3A_90] : memref<4x!tpu.dma_semaphore, #tpu.memory_space<semaphore_mem>> -> memref<1x!tpu.dma_semaphore, #tpu.memory_space<semaphore_mem>>
    %dma_wait3A_100 = tpu.memref_squeeze %dma_wait3A_99 : memref<1x!tpu.dma_semaphore, #tpu.memory_space<semaphore_mem>> -> memref<!tpu.dma_semaphore, #tpu.memory_space<semaphore_mem>>
    %dma_wait3A_101 = arith.constant 0 : i32
    %dma_wait3A_102 = tpu.memref_slice %arg4[%add3A_92, %dma_wait3A_101] : memref<8192x768xf32, #tpu.memory_space<hbm>> -> memref<32x768xf32, #tpu.memory_space<hbm>>
    %dma_wait3A_103 = arith.constant 0 : i32
    %dma_wait3A_104 = arith.constant 0 : i32
    %dma_wait3A_105 = tpu.memref_slice %arg6[%rem3A_90, %dma_wait3A_103, %dma_wait3A_104] : memref<4x32x768xf32, #tpu.memory_space<vmem>> -> memref<1x32x768xf32, #tpu.memory_space<vmem>>
    %dma_wait3A_106 = tpu.memref_squeeze %dma_wait3A_105 : memref<1x32x768xf32, #tpu.memory_space<vmem>> -> memref<32x768xf32, #tpu.memory_space<vmem>>
    tpu.wait_dma2 semaphore(%dma_wait3A_100 : memref<!tpu.dma_semaphore, #tpu.memory_space<semaphore_mem>>) src(%dma_wait3A_106 : memref<32x768xf32, #tpu.memory_space<vmem>>) dst(%dma_wait3A_102 : memref<32x768xf32, #tpu.memory_space<hbm>>)
    return
  }
}

module attributes {stable_mosaic.version = 14 : i64} {
  func.func @_ln_body(%arg0: i32, %arg1: memref<2048x768xf32, #tpu.memory_space<vmem>>, %arg2: memref<2048x768xf32, #tpu.memory_space<vmem>>, %arg3: memref<1x1x2048xi32, #tpu.memory_space<vmem>>, %arg4: memref<2x768xf32, #tpu.memory_space<vmem>>, %arg5: memref<1x768xf32, #tpu.memory_space<vmem>>, %arg6: memref<1x768xf32, #tpu.memory_space<vmem>>, %arg7: memref<2048x768xf32, #tpu.memory_space<vmem>>) attributes {dimension_semantics = [#tpu.dimension_semantics<arbitrary>], iteration_bounds = array<i64: 4>, scalar_prefetch = 0 : i64, scratch_operands = 0 : i64, tpu.core_type = #tpu.core_type<tc>, window_params = [{transform_indices = @transform_0, window_bounds = array<i64: 2048, 768>}, {transform_indices = @transform_1, window_bounds = array<i64: 2048, 768>}, {transform_indices = @transform_2, window_bounds = array<i64: 1, 1, 2048>}, {pipeline_mode = #tpu.pipeline_mode<synchronous>, transform_indices = @transform_3, window_bounds = array<i64: 2, 768>}, {pipeline_mode = #tpu.pipeline_mode<synchronous>, transform_indices = @transform_4, window_bounds = array<i64: 1, 768>}, {pipeline_mode = #tpu.pipeline_mode<synchronous>, transform_indices = @transform_5, window_bounds = array<i64: 1, 768>}, {transform_indices = @transform_6, window_bounds = array<i64: 2048, 768>}]} {
    %get3A = arith.constant 0 : index
    %get3A_0 = arith.constant 0 : index
    %get3A_1 = vector.load %arg1[%get3A, %get3A_0] : memref<2048x768xf32, #tpu.memory_space<vmem>>, vector<2048x768xf32>
    %get3A_2 = arith.constant 0 : index
    %get3A_3 = arith.constant 0 : index
    %get3A_4 = vector.load %arg2[%get3A_2, %get3A_3] : memref<2048x768xf32, #tpu.memory_space<vmem>>, vector<2048x768xf32>
    %get3A_5 = arith.constant 0 : index
    %get3A_6 = arith.constant 0 : index
    %get3A_7 = arith.constant 0 : index
    %get3A_8 = vector.load %arg3[%get3A_5, %get3A_6, %get3A_7] : memref<1x1x2048xi32, #tpu.memory_space<vmem>>, vector<1x1x2048xi32>
    %get3A_9 = vector.shape_cast %get3A_8 : vector<1x1x2048xi32> to vector<2048xi32>
    %convert_element_type3A = arith.sitofp %get3A_9 : vector<2048xi32> to vector<2048xf32>
    %get3A_10 = arith.constant 0 : index
    %get3A_11 = arith.constant 0 : index
    %get3A_12 = vector.load %arg4[%get3A_10, %get3A_11] : memref<2x768xf32, #tpu.memory_space<vmem>>, vector<1x768xf32>
    %get3A_13 = vector.shape_cast %get3A_12 : vector<1x768xf32> to vector<768xf32>
    %get3A_14 = arith.constant 1 : index
    %get3A_15 = arith.constant 0 : index
    %get3A_16 = vector.load %arg4[%get3A_14, %get3A_15] : memref<2x768xf32, #tpu.memory_space<vmem>>, vector<1x768xf32>
    %get3A_17 = vector.shape_cast %get3A_16 : vector<1x768xf32> to vector<768xf32>
    %sub3A = arith.subf %get3A_17, %get3A_13 : vector<768xf32>
    %add3A = arith.addf %get3A_1, %get3A_4 : vector<2048x768xf32>
    %broadcast_in_dim3A = vector.shape_cast %get3A_13 : vector<768xf32> to vector<1x768xf32>
    %add3A_18 = vector.broadcast %broadcast_in_dim3A : vector<1x768xf32> to vector<2048x768xf32>
    %add3A_19 = arith.addf %add3A, %add3A_18 : vector<2048x768xf32>
    %broadcast_in_dim3A_20 = vector.shape_cast %convert_element_type3A : vector<2048xf32> to vector<2048x1xf32>
    %broadcast_in_dim3A_21 = vector.shape_cast %sub3A : vector<768xf32> to vector<1x768xf32>
    %mul3A = vector.broadcast %broadcast_in_dim3A_20 : vector<2048x1xf32> to vector<2048x768xf32>
    %mul3A_22 = vector.broadcast %broadcast_in_dim3A_21 : vector<1x768xf32> to vector<2048x768xf32>
    %mul3A_23 = arith.mulf %mul3A, %mul3A_22 : vector<2048x768xf32>
    %add3A_24 = arith.addf %add3A_19, %mul3A_23 : vector<2048x768xf32>
    %reduce_sum3A = arith.constant dense<0.000000e+00> : vector<2048xf32>
    %reduce_sum3A_25 = vector.multi_reduction <add>, %add3A_24, %reduce_sum3A [1] : vector<2048x768xf32> to vector<2048xf32>
    %broadcast_in_dim3A_26 = vector.shape_cast %reduce_sum3A_25 : vector<2048xf32> to vector<2048x1xf32>
    %div3A = arith.constant 7.680000e+02 : f32
    %div3A_27 = vector.broadcast %div3A : f32 to vector<2048x1xf32>
    %div3A_28 = arith.divf %broadcast_in_dim3A_26, %div3A_27 : vector<2048x1xf32>
    %sub3A_29 = vector.broadcast %div3A_28 : vector<2048x1xf32> to vector<2048x768xf32>
    %sub3A_30 = arith.subf %add3A_24, %sub3A_29 : vector<2048x768xf32>
    %mul3A_31 = arith.mulf %sub3A_30, %sub3A_30 : vector<2048x768xf32>
    %reduce_sum3A_32 = arith.constant dense<0.000000e+00> : vector<2048xf32>
    %reduce_sum3A_33 = vector.multi_reduction <add>, %mul3A_31, %reduce_sum3A_32 [1] : vector<2048x768xf32> to vector<2048xf32>
    %broadcast_in_dim3A_34 = vector.shape_cast %reduce_sum3A_33 : vector<2048xf32> to vector<2048x1xf32>
    %div3A_35 = arith.constant 7.680000e+02 : f32
    %div3A_36 = vector.broadcast %div3A_35 : f32 to vector<2048x1xf32>
    %div3A_37 = arith.divf %broadcast_in_dim3A_34, %div3A_36 : vector<2048x1xf32>
    %add3A_38 = arith.constant 9.99999996E-13 : f32
    %add3A_39 = vector.broadcast %add3A_38 : f32 to vector<2048x1xf32>
    %add3A_40 = arith.addf %div3A_37, %add3A_39 : vector<2048x1xf32>
    %rsqrt3A = math.rsqrt %add3A_40 : vector<2048x1xf32>
    %mul3A_41 = vector.broadcast %rsqrt3A : vector<2048x1xf32> to vector<2048x768xf32>
    %mul3A_42 = arith.mulf %sub3A_30, %mul3A_41 : vector<2048x768xf32>
    %get3A_43 = arith.constant 0 : index
    %get3A_44 = arith.constant 0 : index
    %get3A_45 = vector.load %arg5[%get3A_43, %get3A_44] : memref<1x768xf32, #tpu.memory_space<vmem>>, vector<1x768xf32>
    %get3A_46 = vector.shape_cast %get3A_45 : vector<1x768xf32> to vector<768xf32>
    %broadcast_in_dim3A_47 = vector.shape_cast %get3A_46 : vector<768xf32> to vector<1x768xf32>
    %mul3A_48 = vector.broadcast %broadcast_in_dim3A_47 : vector<1x768xf32> to vector<2048x768xf32>
    %mul3A_49 = arith.mulf %mul3A_42, %mul3A_48 : vector<2048x768xf32>
    %get3A_50 = arith.constant 0 : index
    %get3A_51 = arith.constant 0 : index
    %get3A_52 = vector.load %arg6[%get3A_50, %get3A_51] : memref<1x768xf32, #tpu.memory_space<vmem>>, vector<1x768xf32>
    %get3A_53 = vector.shape_cast %get3A_52 : vector<1x768xf32> to vector<768xf32>
    %broadcast_in_dim3A_54 = vector.shape_cast %get3A_53 : vector<768xf32> to vector<1x768xf32>
    %add3A_55 = vector.broadcast %broadcast_in_dim3A_54 : vector<1x768xf32> to vector<2048x768xf32>
    %add3A_56 = arith.addf %mul3A_49, %add3A_55 : vector<2048x768xf32>
    %swap3A = arith.constant 0 : index
    %swap3A_57 = arith.constant 0 : index
    %swap3A_58 = vector.load %arg7[%swap3A, %swap3A_57] : memref<2048x768xf32, #tpu.memory_space<vmem>>, vector<2048x768xf32>
    tpu.vector_store %arg7[%swap3A, %swap3A_57], %add3A_56 {strides = array<i32>} : memref<2048x768xf32, #tpu.memory_space<vmem>>, vector<2048x768xf32>,
    return
  }
  func.func @transform_0(%arg0: i32) -> (i32, i32) {
    %c0_i32 = arith.constant 0 : i32
    %c0_i32_0 = arith.constant 0 : i32
    return %arg0, %c0_i32 : i32, i32
  }
  func.func @transform_1(%arg0: i32) -> (i32, i32) {
    %c0_i32 = arith.constant 0 : i32
    %c0_i32_0 = arith.constant 0 : i32
    %c0_i32_1 = arith.constant 0 : i32
    return %c0_i32, %c0_i32_0 : i32, i32
  }
  func.func @transform_2(%arg0: i32) -> (i32, i32, i32) {
    %mul3A = arith.constant 2 : i32
    %mul3A_0 = arith.muli %arg0, %mul3A : i32
    %add3A = arith.constant 0 : i32
    %add3A_1 = arith.addi %mul3A_0, %add3A : i32
    %c0_i32 = arith.constant 0 : i32
    %c0_i32_2 = arith.constant 0 : i32
    %c0_i32_3 = arith.constant 0 : i32
    return %add3A_1, %c0_i32, %c0_i32_2 : i32, i32, i32
  }
  func.func @transform_3(%arg0: i32) -> (i32, i32) {
    %c0_i32 = arith.constant 0 : i32
    %c0_i32_0 = arith.constant 0 : i32
    %c0_i32_1 = arith.constant 0 : i32
    return %c0_i32, %c0_i32_0 : i32, i32
  }
  func.func @transform_4(%arg0: i32) -> (i32, i32) {
    %c0_i32 = arith.constant 0 : i32
    %c0_i32_0 = arith.constant 0 : i32
    %c0_i32_1 = arith.constant 0 : i32
    return %c0_i32, %c0_i32_0 : i32, i32
  }
  func.func @transform_5(%arg0: i32) -> (i32, i32) {
    %c0_i32 = arith.constant 0 : i32
    %c0_i32_0 = arith.constant 0 : i32
    %c0_i32_1 = arith.constant 0 : i32
    return %c0_i32, %c0_i32_0 : i32, i32
  }
  func.func @transform_6(%arg0: i32) -> (i32, i32) {
    %mul3A = arith.constant 2 : i32
    %mul3A_0 = arith.muli %arg0, %mul3A : i32
    %add3A = arith.constant 0 : i32
    %add3A_1 = arith.addi %mul3A_0, %add3A : i32
    %c0_i32 = arith.constant 0 : i32
    %c0_i32_2 = arith.constant 0 : i32
    return %add3A_1, %c0_i32 : i32, i32
  }
}

module attributes {stable_mosaic.version = 14 : i64} {
  func.func @_ln_body_carry(%arg0: i32, %arg1: memref<2048x768xf32, #tpu.memory_space<vmem>>, %arg2: memref<2048x768xf32, #tpu.memory_space<vmem>>, %arg3: memref<1x1x2048xi32, #tpu.memory_space<vmem>>, %arg4: memref<2x768xf32, #tpu.memory_space<vmem>>, %arg5: memref<1x768xf32, #tpu.memory_space<vmem>>, %arg6: memref<1x768xf32, #tpu.memory_space<vmem>>, %arg7: memref<8x768xf32, #tpu.memory_space<vmem>>, %arg8: memref<2048x768xf32, #tpu.memory_space<vmem>>) attributes {dimension_semantics = [#tpu.dimension_semantics<arbitrary>], iteration_bounds = array<i64: 4>, scalar_prefetch = 0 : i64, scratch_operands = 0 : i64, tpu.core_type = #tpu.core_type<tc>, window_params = [{transform_indices = @transform_0, window_bounds = array<i64: 2048, 768>}, {transform_indices = @transform_1, window_bounds = array<i64: 2048, 768>}, {transform_indices = @transform_2, window_bounds = array<i64: 1, 1, 2048>}, {pipeline_mode = #tpu.pipeline_mode<synchronous>, transform_indices = @transform_3, window_bounds = array<i64: 2, 768>}, {pipeline_mode = #tpu.pipeline_mode<synchronous>, transform_indices = @transform_4, window_bounds = array<i64: 1, 768>}, {pipeline_mode = #tpu.pipeline_mode<synchronous>, transform_indices = @transform_5, window_bounds = array<i64: 1, 768>}, {transform_indices = @transform_6, window_bounds = array<i64: 8, 768>}, {transform_indices = @transform_7, window_bounds = array<i64: 2048, 768>}]} {
    %get3A = arith.constant 0 : index
    %get3A_0 = arith.constant 0 : index
    %get3A_1 = vector.load %arg1[%get3A, %get3A_0] : memref<2048x768xf32, #tpu.memory_space<vmem>>, vector<2048x768xf32>
    %get3A_2 = arith.constant 0 : index
    %get3A_3 = arith.constant 0 : index
    %get3A_4 = vector.load %arg2[%get3A_2, %get3A_3] : memref<2048x768xf32, #tpu.memory_space<vmem>>, vector<2048x768xf32>
    %get3A_5 = arith.constant 0 : index
    %get3A_6 = arith.constant 0 : index
    %get3A_7 = arith.constant 0 : index
    %get3A_8 = vector.load %arg3[%get3A_5, %get3A_6, %get3A_7] : memref<1x1x2048xi32, #tpu.memory_space<vmem>>, vector<1x1x2048xi32>
    %get3A_9 = vector.shape_cast %get3A_8 : vector<1x1x2048xi32> to vector<2048xi32>
    %convert_element_type3A = arith.sitofp %get3A_9 : vector<2048xi32> to vector<2048xf32>
    %get3A_10 = arith.constant 0 : index
    %get3A_11 = arith.constant 0 : index
    %get3A_12 = vector.load %arg4[%get3A_10, %get3A_11] : memref<2x768xf32, #tpu.memory_space<vmem>>, vector<1x768xf32>
    %get3A_13 = vector.shape_cast %get3A_12 : vector<1x768xf32> to vector<768xf32>
    %get3A_14 = arith.constant 1 : index
    %get3A_15 = arith.constant 0 : index
    %get3A_16 = vector.load %arg4[%get3A_14, %get3A_15] : memref<2x768xf32, #tpu.memory_space<vmem>>, vector<1x768xf32>
    %get3A_17 = vector.shape_cast %get3A_16 : vector<1x768xf32> to vector<768xf32>
    %sub3A = arith.subf %get3A_17, %get3A_13 : vector<768xf32>
    %add3A = arith.addf %get3A_1, %get3A_4 : vector<2048x768xf32>
    %broadcast_in_dim3A = vector.shape_cast %get3A_13 : vector<768xf32> to vector<1x768xf32>
    %add3A_18 = vector.broadcast %broadcast_in_dim3A : vector<1x768xf32> to vector<2048x768xf32>
    %add3A_19 = arith.addf %add3A, %add3A_18 : vector<2048x768xf32>
    %broadcast_in_dim3A_20 = vector.shape_cast %convert_element_type3A : vector<2048xf32> to vector<2048x1xf32>
    %broadcast_in_dim3A_21 = vector.shape_cast %sub3A : vector<768xf32> to vector<1x768xf32>
    %mul3A = vector.broadcast %broadcast_in_dim3A_20 : vector<2048x1xf32> to vector<2048x768xf32>
    %mul3A_22 = vector.broadcast %broadcast_in_dim3A_21 : vector<1x768xf32> to vector<2048x768xf32>
    %mul3A_23 = arith.mulf %mul3A, %mul3A_22 : vector<2048x768xf32>
    %add3A_24 = arith.addf %add3A_19, %mul3A_23 : vector<2048x768xf32>
    %reduce_sum3A = arith.constant dense<0.000000e+00> : vector<2048xf32>
    %reduce_sum3A_25 = vector.multi_reduction <add>, %add3A_24, %reduce_sum3A [1] : vector<2048x768xf32> to vector<2048xf32>
    %broadcast_in_dim3A_26 = vector.shape_cast %reduce_sum3A_25 : vector<2048xf32> to vector<2048x1xf32>
    %div3A = arith.constant 7.680000e+02 : f32
    %div3A_27 = vector.broadcast %div3A : f32 to vector<2048x1xf32>
    %div3A_28 = arith.divf %broadcast_in_dim3A_26, %div3A_27 : vector<2048x1xf32>
    %sub3A_29 = vector.broadcast %div3A_28 : vector<2048x1xf32> to vector<2048x768xf32>
    %sub3A_30 = arith.subf %add3A_24, %sub3A_29 : vector<2048x768xf32>
    %mul3A_31 = arith.mulf %sub3A_30, %sub3A_30 : vector<2048x768xf32>
    %reduce_sum3A_32 = arith.constant dense<0.000000e+00> : vector<2048xf32>
    %reduce_sum3A_33 = vector.multi_reduction <add>, %mul3A_31, %reduce_sum3A_32 [1] : vector<2048x768xf32> to vector<2048xf32>
    %broadcast_in_dim3A_34 = vector.shape_cast %reduce_sum3A_33 : vector<2048xf32> to vector<2048x1xf32>
    %div3A_35 = arith.constant 7.680000e+02 : f32
    %div3A_36 = vector.broadcast %div3A_35 : f32 to vector<2048x1xf32>
    %div3A_37 = arith.divf %broadcast_in_dim3A_34, %div3A_36 : vector<2048x1xf32>
    %add3A_38 = arith.constant 9.99999996E-13 : f32
    %add3A_39 = vector.broadcast %add3A_38 : f32 to vector<2048x1xf32>
    %add3A_40 = arith.addf %div3A_37, %add3A_39 : vector<2048x1xf32>
    %rsqrt3A = math.rsqrt %add3A_40 : vector<2048x1xf32>
    %mul3A_41 = vector.broadcast %rsqrt3A : vector<2048x1xf32> to vector<2048x768xf32>
    %mul3A_42 = arith.mulf %sub3A_30, %mul3A_41 : vector<2048x768xf32>
    %get3A_43 = arith.constant 0 : index
    %get3A_44 = arith.constant 0 : index
    %get3A_45 = vector.load %arg5[%get3A_43, %get3A_44] : memref<1x768xf32, #tpu.memory_space<vmem>>, vector<1x768xf32>
    %get3A_46 = vector.shape_cast %get3A_45 : vector<1x768xf32> to vector<768xf32>
    %broadcast_in_dim3A_47 = vector.shape_cast %get3A_46 : vector<768xf32> to vector<1x768xf32>
    %mul3A_48 = vector.broadcast %broadcast_in_dim3A_47 : vector<1x768xf32> to vector<2048x768xf32>
    %mul3A_49 = arith.mulf %mul3A_42, %mul3A_48 : vector<2048x768xf32>
    %get3A_50 = arith.constant 0 : index
    %get3A_51 = arith.constant 0 : index
    %get3A_52 = vector.load %arg6[%get3A_50, %get3A_51] : memref<1x768xf32, #tpu.memory_space<vmem>>, vector<1x768xf32>
    %get3A_53 = vector.shape_cast %get3A_52 : vector<1x768xf32> to vector<768xf32>
    %broadcast_in_dim3A_54 = vector.shape_cast %get3A_53 : vector<768xf32> to vector<1x768xf32>
    %add3A_55 = vector.broadcast %broadcast_in_dim3A_54 : vector<1x768xf32> to vector<2048x768xf32>
    %add3A_56 = arith.addf %mul3A_49, %add3A_55 : vector<2048x768xf32>
    %swap3A = arith.constant 0 : index
    %swap3A_57 = arith.constant 0 : index
    %swap3A_58 = vector.load %arg8[%swap3A, %swap3A_57] : memref<2048x768xf32, #tpu.memory_space<vmem>>, vector<2048x768xf32>
    tpu.vector_store %arg8[%swap3A, %swap3A_57], %add3A_56 {strides = array<i32>} : memref<2048x768xf32, #tpu.memory_space<vmem>>, vector<2048x768xf32>,
    return
  }
  func.func @transform_0(%arg0: i32) -> (i32, i32) {
    %c0_i32 = arith.constant 0 : i32
    %c0_i32_0 = arith.constant 0 : i32
    return %arg0, %c0_i32 : i32, i32
  }
  func.func @transform_1(%arg0: i32) -> (i32, i32) {
    %c1_i32 = arith.constant 1 : i32
    %c0_i32 = arith.constant 0 : i32
    %c0_i32_0 = arith.constant 0 : i32
    return %c1_i32, %c0_i32 : i32, i32
  }
  func.func @transform_2(%arg0: i32) -> (i32, i32, i32) {
    %mul3A = arith.constant 2 : i32
    %mul3A_0 = arith.muli %arg0, %mul3A : i32
    %add3A = arith.constant 1 : i32
    %add3A_1 = arith.addi %mul3A_0, %add3A : i32
    %c0_i32 = arith.constant 0 : i32
    %c0_i32_2 = arith.constant 0 : i32
    %c0_i32_3 = arith.constant 0 : i32
    return %add3A_1, %c0_i32, %c0_i32_2 : i32, i32, i32
  }
  func.func @transform_3(%arg0: i32) -> (i32, i32) {
    %c0_i32 = arith.constant 0 : i32
    %c0_i32_0 = arith.constant 0 : i32
    %c0_i32_1 = arith.constant 0 : i32
    return %c0_i32, %c0_i32_0 : i32, i32
  }
  func.func @transform_4(%arg0: i32) -> (i32, i32) {
    %c0_i32 = arith.constant 0 : i32
    %c0_i32_0 = arith.constant 0 : i32
    %c0_i32_1 = arith.constant 0 : i32
    return %c0_i32, %c0_i32_0 : i32, i32
  }
  func.func @transform_5(%arg0: i32) -> (i32, i32) {
    %c0_i32 = arith.constant 0 : i32
    %c0_i32_0 = arith.constant 0 : i32
    %c0_i32_1 = arith.constant 0 : i32
    return %c0_i32, %c0_i32_0 : i32, i32
  }
  func.func @transform_6(%arg0: i32) -> (i32, i32) {
    %c0_i32 = arith.constant 0 : i32
    %c0_i32_0 = arith.constant 0 : i32
    %c0_i32_1 = arith.constant 0 : i32
    return %c0_i32, %c0_i32_0 : i32, i32
  }
  func.func @transform_7(%arg0: i32) -> (i32, i32) {
    %mul3A = arith.constant 2 : i32
    %mul3A_0 = arith.muli %arg0, %mul3A : i32
    %add3A = arith.constant 1 : i32
    %add3A_1 = arith.addi %mul3A_0, %add3A : i32
    %c0_i32 = arith.constant 0 : i32
    %c0_i32_2 = arith.constant 0 : i32
    return %add3A_1, %c0_i32 : i32, i32
  }
}

</mosaic_0001>

<sc_bundles>
// kernel: kernel.6.cloned.1.call-start
scs
__scs_entry_jumppad:
0x0: {  	(pc) =	sbr.rel $0x88, $3  }
0x1: {  	(tag) =	ssettag $0x0;
	lr =	simm.s32 $0x1  }
0x2: {  	[smem:$0x3F9A] =	sst lr;
	_ =	strace $0xD0000000  }
0x3: {  	_ = 	snop  }
0x4: {  	_ = 	snop  }
0x5: {  	_ = 	snop  }
0x6: {  	_ = 	snop  }
0x7: {  	_ = 	snop  }
__scs_overlays_trampoline_lowered:
0x8: {  	[smem:$0x3FA9] =	sst s0  }
0x9: {  	[smem:$0x3FAA] =	sst s1  }
0xa: {  	[smem:$0x3FAB] =	sst s2  }
0xb: {  	[smem:$0x3FAC] =	sst s3  }
0xc: {  	[smem:$0x3FAD] =	sst s4  }
0xd: {  	[smem:$0x3FAE] =	sst s5  }
0xe: {  	[smem:$0x3FAF] =	sst s6  }
0xf: {  	[smem:$0x3FB0] =	sst s7  }
0x10: {  	[smem:$0x3FB1] =	sst s8  }
0x11: {  	[smem:$0x3FB2] =	sst s9;
	s0 =	simm.s32 @!p0 $0x0  }
0x12: {  	s1 =	sld [smem:$0x3F98];
	s0 =	simm.s32 @p0 $0x1  }
0x13: {  	[smem:$0x3FB3] =	sst s0;
	s0 =	simm.s32 @!p1 $0x0  }
0x14: {  	s2 =	sld [smem:$0x3F97];
	s0 =	simm.s32 @p1 $0x1  }
0x15: {  	[smem:$0x3FB4] =	sst s0;
	s0 =	simm.s32 @!p2 $0x0  }
0x16: {  	s3 =	sld [smem:$0x3FDB];
	s0 =	simm.s32 @p2 $0x1  }
0x17: {  	s4 =	simm.s32 $0x1BF5;
	[smem:$0x3FB6] =	sst s0  }
0x18: {  	s0 =	sld [smem:$0x3F99];
	_ =	swait.ge [sflag:s4], $0x0  }
0x19: {  	s7 =	sld [smem:$0x3F9A]  }
0x1a: {  	s8 =	sadd.s32 $0xFFFFE003, lr  }
0x1b: {  	s9 =	sadd.s32 $0xFFFFFEF7, lr;
	s5 =	simm.s32 $0xFFFFFFFF;
	p2 =	slt.u32 s8, $0xFFFFF086  }
0x1c: {  	p1 =	slt.u32 s9, $0xF7A;
	s5 =	simm.s32 @!p2 $0x0  }
0x1d: {  	s5 =	simm.s32 @p1 $0x1;
	p0 =	seq.s32 s7, s2  }
0x1e: {  	s7 =	smul.u32 @!p0 $0xF7A, s2;
	p2 =	seq.s32 @!p0 s5, $0x0  }
0x1f: {  	s9 =	smul.u32 $0xF7A, s1;
	s8 =	simm.s32 @!p0 $0x1BF5;
	p2 =	por !p2, p0  }
0x20: {  	[sflag:s8] =	ssyncset.s32 @!p0 $0xFFFFF086;
	s6 =	sadd.s32 @!p0 s3, s7;
	s7 =	simm.s32 @!p0 $0x108  }
0x21: {  	s3 =	sadd.s32 s3, s9;
	s6 =	sadd.s32 @!p0 $0x88, s6;
	s7 =	simm.s32 @p2 $0x1082  }
0x22: {  	[simem:s7], [sflag:s8] =	dma.local @!p0 [hbm:s6], $0xF7A  }
0x23: {  	s9 =	sor.u32 $0xD0000000, s2;
	s6 =	simm.s32 $0x108;
	_ =	swait.ge @!p0 [sflag:s8], $0x0  }
0x24: {  	s3 =	sadd.s32 $0x88, s3;
	s6 =	simm.s32 @!p1 $0x1082;
	[sflag:s4] =	ssyncset.s32 $0xFFFFF086  }
0x25: {  	[simem:s6], [sflag:s4] =	dma.local [hbm:s3], $0xF7A  }
0x26: {  	[smem:$0x3F9A] =	sst s1;
	(tag) =	ssettag s2;
	_ =	strace s9  }
0x27: {  	s1 =	sld [smem:$0x3FAA]  }
0x28: {  	s2 =	sld [smem:$0x3FAB]  }
0x29: {  	s4 =	sld [smem:$0x3FAD]  }
0x2a: {  	p0 =	seq.s32 s5, $0x0;
	s5 =	sld [smem:$0x3FAE]  }
0x2b: {  	s6 =	sld [smem:$0x3FAF]  }
0x2c: {  	s7 =	sld [smem:$0x3FB0]  }
0x2d: {  	s3 =	simm.s32 $0x108;
	s8 =	sld [smem:$0x3FB1]  }
0x2e: {  	s3 =	simm.s32 @!p0 $0x1082;
	s9 =	sld [smem:$0x3FB2]  }
0x2f: {  	lr =	sadd.s32 s0, s3;
	s0 =	sld [smem:$0x3FA9]  }
0x30: {  	s3 =	sld [smem:$0x3FAC]  }
0x31: {  	[smem:$0x3FB5] =	sst s10  }
0x32: {  	s10 =	sld [smem:$0x3FB3];
	_ =	sdelay $0x3  }
0x33: {  	p0 =	seq.s32 s10, $0x1;
	s10 =	sld [smem:$0x3FB5];
	_ =	sdelay $0x3  }
0x34: {  	[smem:$0x3FB5] =	sst s10  }
0x35: {  	s10 =	sld [smem:$0x3FB4];
	_ =	sdelay $0x3  }
0x36: {  	p1 =	seq.s32 s10, $0x1;
	s10 =	sld [smem:$0x3FB5];
	_ =	sdelay $0x3  }
0x37: {  	[smem:$0x3FB5] =	sst s10  }
0x38: {  	s10 =	sld [smem:$0x3FB6]  }
0x39: {  	_ = 	snop;
	(pc) =	sbr.ind lr, $3  }
0x3a: {  	_ = 	snop  }
0x3b: {  	_ = 	snop  }
0x3c: {  	p2 =	seq.s32 s10, $0x1;
	s10 =	sld [smem:$0x3FB5]  }
0x3d: {  	_ =	shalt  }
0x3e: {  	_ =	shalt  }
0x3f: {  	_ =	shalt  }
0x40: {  	_ =	shalt  }
0x41: {  	_ =	shalt  }
0x42: {  	_ =	shalt  }
0x43: {  	_ =	shalt  }
0x44: {  	_ =	shalt  }
0x45: {  	_ =	shalt  }
0x46: {  	_ =	shalt  }
0x47: {  	_ =	shalt  }
0x48: {  	_ =	shalt  }
0x49: {  	_ =	shalt  }
0x4a: {  	_ =	shalt  }
0x4b: {  	_ =	shalt  }
0x4c: {  	_ =	shalt  }
0x4d: {  	_ =	shalt  }
0x4e: {  	_ =	shalt  }
0x4f: {  	_ =	shalt  }
0x50: {  	_ =	shalt  }
0x51: {  	_ =	shalt  }
0x52: {  	_ =	shalt  }
0x53: {  	_ =	shalt  }
0x54: {  	_ =	shalt  }
0x55: {  	_ =	shalt  }
0x56: {  	_ =	shalt  }
0x57: {  	_ =	shalt  }
0x58: {  	_ =	shalt  }
0x59: {  	_ =	shalt  }
0x5a: {  	_ =	shalt  }
0x5b: {  	_ =	shalt  }
0x5c: {  	_ =	shalt  }
0x5d: {  	_ =	shalt  }
0x5e: {  	_ =	shalt  }
0x5f: {  	_ =	shalt  }
0x60: {  	_ =	shalt  }
0x61: {  	_ =	shalt  }
0x62: {  	_ =	shalt  }
0x63: {  	_ =	shalt  }
0x64: {  	_ =	shalt  }
0x65: {  	_ =	shalt  }
0x66: {  	_ =	shalt  }
0x67: {  	_ =	shalt  }
0x68: {  	_ =	shalt  }
0x69: {  	_ =	shalt  }
0x6a: {  	_ =	shalt  }
0x6b: {  	_ =	shalt  }
0x6c: {  	_ =	shalt  }
0x6d: {  	_ =	shalt  }
0x6e: {  	_ =	shalt  }
0x6f: {  	_ =	shalt  }
0x70: {  	_ =	shalt  }
0x71: {  	_ =	shalt  }
0x72: {  	_ =	shalt  }
0x73: {  	_ =	shalt  }
0x74: {  	_ =	shalt  }
0x75: {  	_ =	shalt  }
0x76: {  	_ =	shalt  }
0x77: {  	_ =	shalt  }
0x78: {  	_ =	shalt  }
0x79: {  	_ =	shalt  }
0x7a: {  	_ =	shalt  }
0x7b: {  	_ =	shalt  }
0x7c: {  	_ =	shalt  }
0x7d: {  	_ =	shalt  }
0x7e: {  	_ =	shalt  }
0x7f: {  	_ =	shalt  }
0x80: {  	_ =	shalt  }
0x81: {  	_ =	shalt  }
0x82: {  	_ =	shalt  }
0x83: {  	_ =	shalt  }
0x84: {  	_ =	shalt  }
0x85: {  	_ =	shalt  }
0x86: {  	_ =	shalt  }
0x87: {  	_ =	shalt  }
.Lfunc_end0:
.L_simem_size_0:
called_computation_lowered:
.L_overlay_start_0:
0x88: {  	s2 =	sld [smem:$0x3FD9]  }
0x89: {  	s3 =	sld [smem:$0x3FFE];
	_ =	sdelay $0x1  }
0x8a: {  	s1 =	srdreg.scid  }
0x8b: {  	s0 =	sand.u32 $0x1, s1  }
0x8c: {  	s17 =	sshll.u32 s0, $0xA;
	s2 =	sadd.s32 s3, s2  }
0x8d: {  	s2 =	sadd.s32 s2, s17  }
0x8e: {  	[smem:$0x3FC1] =	sst s2  }
0x8f: {  	_ = 	snop  }
0x90: {  	s2 =	sld [smem:$0x3FC7];
	(tm) =	ssettm $0x1  }
0x91: {  	s18 =	sld [smem:$0x3FFB];
	_ =	sdelay $0x3  }
0x92: {  	_ =	strace s18  }
0x93: {  	s3 =	sld [smem:$0x3FFC];
	_ =	sdelay $0x3  }
0x94: {  	_ =	strace s3  }
0x95: {  	s3 =	sld [smem:$0x3FFD];
	_ =	sdelay $0x3  }
0x96: {  	_ =	strace s3  }
0x97: {  	_ =	strace $0x8FFFFFFF  }
0x98: {  	s19 =	sld [smem:$0x3FDB];
	_ =	sdelay $0x1  }
0x99: {  	s4 =	simm.s32 $_scs_section_size  }
0x9a: {  	s5 =	simm.s32 $_size__tile_overlayer_lowered;
	s6 =	simm.s32 $_tile_overlayer_lowered  }
0x9b: {  	s22 =	simm.s32 $0x1BFF;
	s21 =	sshll.u32 s6, $0x1;
	s3 =	sadd.s32 s4, s19  }
0x9c: {  	s7 =	simm.s32 $0x0;
	s20 =	sshll.u32 s5, $0x1;
	s5 =	sadd.s32 s21, s3  }
0x9d: {  	[timem:s7], [sflag:s22] =	dma.local [hbm:s5], s20  }
0x9e: {  	_ =	swait.ge [sflag:s22], s20  }
0x9f: {  	s4 =	ssub.s32 $0x0, s20;
	[sflag:s22] =	ssyncset.done $0x0  }
0xa0: {  	[sflag:s22] =	ssyncadd.s32 s4;
	_ =	sdelay $0x1  }
0xa1: {  	s23 =	simm.s32 $0x1B8B  }
0xa2: {  	_ =	swait.ge [sflag:s23], $0x1  }
0xa3: {  	[sflag:s23] =	ssyncset.done $0x0  }
0xa4: {  	s25 =	simm.s32 $0x1B8E;
	s24 =	sld [smem:$0x3FFE];
	[sflag:s23] =	ssyncadd.s32 $0xFFFFFFFF  }
0xa5: {  	s26 =	simm.s32 $execute0_lowered;
	[smem:$0x3FD2] =	sst s25  }
0xa6: {  	s5 =	sshll.u32 s26, $0x1;
	_ =	strace $0x80000046;
	[dreg:$0x1] =	wrdreg $0xFFFFFFFF  }
0xa7: {  	s28 =	simm.s32 $_size_execute0_lowered;
	s3 =	sadd.s32 s3, s5;
	[dreg:$0x0] =	wrdreg $0x0  }
0xa8: {  	s5 =	sshll.u32 s28, $0x1;
	[dreg:$0x2] =	wrdreg s3  }
0xa9: {  	[dreg:$0x3] =	wrdreg s5  }
0xaa: {  	[dreg:$0x4] =	wrdreg $0xC0  }
0xab: {  	_ =	task [dreg:s7], $0x5FFFF  }
0xac: {  	[dreg:$0x1] =	wrdreg $0xFFFFFFFF  }
0xad: {  	[dreg:$0x0] =	wrdreg $0x60  }
0xae: {  	[dreg:$0x2] =	wrdreg s24  }
0xaf: {  	[dreg:$0x3] =	wrdreg s2  }
0xb0: {  	[dreg:$0x4] =	wrdreg $0x9  }
0xb1: {  	_ =	task.clear_ibuf [dreg:s7], $0x5FFFF;
	_ =	strace $0x90000046  }
0xb2: {  	s29 =	simm.s32 $0x9;
	_ =	strace $0x80000048  }
0xb3: {  	_ =	swait.ge [sflag:s29], $0x1  }
0xb4: {  	[sflag:s29] =	ssyncadd.s32 $0xFFFFFFFF  }
0xb5: {  	_ =	strace $0x90000048  }
0xb6: {  	_ =	sfence  }
0xb7: {  	s30 =	sld [smem:$0x0];
	_ =	sdelay $0x2  }
0xb8: {  	s31 =	sshll.u32 s1, $0xD;
	s1 =	sshrl.u32 s1, $0x2  }
0xb9: {  	s3 =	sand.u32 $0x4000, s31;
	s1 =	sadd.s32 s1, s30  }
0xba: {  	s0 =	sor.u32 s3, s0;
	s1 =	sshll.u32 s1, $0x11  }
0xbb: {  	s0 =	sor.u32 s1, s0  }
0xbc: {  	s0 =	sadd.s32 $0x8F2B, s0  }
0xbd: {  	[sflag:s0] =	ssyncadd.remote.s32 $0x1  }
0xbe: {  	_ =	sfence.sel $0xFFFF  }
0xbf: {  	[dreg:$0x0] =	wrdreg $0xFFFFFFFF;
	(pc) =	sbr.abs _section_cstart, $3  }
0xc0: {  	[dreg:$0x1] =	wrdreg $0xFFFFFFFF  }
0xc1: {  	_ =	task.clear_ibuf [dreg:s7], $0x2FFFF;
	_ =	strace $0x9FFFFFFF  }
0xc2: {  	(tm) =	ssettm $0x7FFFFFFF  }
0xc3: {  	_ =	shalt  }
tec
execute0_lowered:
.L_overlay_start_1:
0x0: {  	(tag) =	ssettag $0x1  }
0x1: {  	s0 =	srdreg.scid  }
0x2: {  	s2 =	stileid.u32;
	s1 =	rddreg [dreg:$0x0]  }
0x3: {  	s11 =	simm.s32 $0x5;
	s12 =	simm.s32 $0x6;
	s13 =	simm.s32 $0x7  }
0x4: {  	s14 =	simm.s32 $0x8;
	s15 =	simm.s32 $0x0;
	s0 =	sand.u32 $0x1, s0  }
0x5: {  	s3 =	sshll.u32 s2, $0x9;
	s2 =	rddreg [dreg:$0x1];
	s4 =	sshll.u32 s0, $0x8  }
0x6: {  	s0 =	ssub.s32 $0x2, s0;
	s6 =	sadd.s32 $0x200, s2;
	s4 =	sor.u32 s4, s3  }
0x7: {  	s3 =	simm.s32 $0x0;
	s31 =	sshrl.u32 s0, $0x1;
	s4 =	sshrl.u32 s4, $0x3  }
0x8: {  	[smem:$0x7FF] =	sst s3;
	s0 =	ssub.s32 s0, s31;
	s5 =	smul.u32 $0x300, s4  }
0x9: {  	v2 =	vlaneseq.u32;
	_ =	strace $0x80000047;
	s4 =	sadd.s32 s4, s1;
	s0 =	smax.u32 s0, $0x1  }
0xa: {  	vm0 =	vmmov $0xffff;
	v1 =	vshrl.u32 v2, $0x3;
	s4 =	sadd.s32 $0x1600, s4;
	[dreg:$0x4] =	wrdreg s0;
	s1 =	sadd.s32 s5, s1  }
0xb: {  	v0 =	vand.u32 $0x7, v2;
	v2 =	vor.u32 $0x8, v2;
	v1 =	vmul.u32 $0x8, v1;
	[dreg:$0x3] =	wrdreg s4;
	s5 =	sadd.s32 $0x100, s2;
	s21 =	sadd.s32 $0x1A00, s1  }
.LBB2_1:
0xc: {  	s0 =	rddreg [dreg:$0x3];
	s19 =	simm.s32 $0x9  }
0xd: {  	[tilespmem:s3], [sflag:$0x9] =	stream.linear.gather [hbm4b:s0+s3], $0x100, $0x38;
	[tilespmem:$0x18100] =	vst v63  }
0xe: {  	_ =	swait.ge [sflag:s19], $0x100  }
0xf: {  	[sflag:s19] =	ssyncset.done $0x0  }
0x10: {  	[sflag:s19] =	ssyncadd.s32 $0xFFFFFF00  }
0x11: {  	v3 =	vld [tilespmem:$0x0];
	_ =	sdelay $0x4  }
0x12: {  	v4 =	vshrl.u32 v3, $0x3  }
0x13: {  	v4 =	vmul.u32 $0x30, v4  }
0x14: {  	v3 =	vand.u32 $0x7, v3  }
0x15: {  	v3 =	vor.u32 v3, v4  }
0x16: {  	v4 =	vperm.xlane v3, v0;
	_ =	sdelay $0x1  }
0x17: {  	v4 =	vadd.s32 v1, v4;
	_ =	sdelay $0x3  }
0x18: {  	s20 =	simm.s32 $0x100;
	v3 =	vperm.xlane v3, v2  }
0x19: {  	[tilespmem:s20], [sflag:$0x1] =	stream.indirect_vreg.gather [hbm4b:s2+s3], $0x80, v4, vm0, $0xb8;
	[tilespmem:$0x18100] =	vst v63  }
0x1a: {  	s22 =	simm.s32 $0x900;
	v3 =	vadd.s32 v1, v3  }
0x1b: {  	[tilespmem:s22], [sflag:$0x1] =	stream.indirect_vreg.gather [hbm4b:s5+s3], $0x80, v4, vm0, $0xb8;
	[tilespmem:$0x18100] =	vst v63  }
0x1c: {  	s23 =	simm.s32 $0x1100  }
0x1d: {  	[tilespmem:s23], [sflag:$0x1] =	stream.indirect_vreg.gather [hbm4b:s6+s3], $0x80, v4, vm0, $0xb8;
	[tilespmem:$0x18100] =	vst v63  }
0x1e: {  	s24 =	simm.s32 $0x1900  }
0x1f: {  	[tilespmem:s24], [sflag:$0x1] =	stream.indirect_vreg.gather [hbm4b:s2+s3], $0x80, v3, vm0, $0xb8;
	[tilespmem:$0x18100] =	vst v63  }
0x20: {  	s25 =	simm.s32 $0x2100  }
0x21: {  	[tilespmem:s25], [sflag:$0x1] =	stream.indirect_vreg.gather [hbm4b:s5+s3], $0x80, v3, vm0, $0xb8;
	[tilespmem:$0x18100] =	vst v63  }
0x22: {  	s26 =	simm.s32 $0x2900  }
0x23: {  	[tilespmem:s26], [sflag:$0x1] =	stream.indirect_vreg.gather [hbm4b:s6+s3], $0x80, v3, vm0, $0xb8;
	[tilespmem:$0x18100] =	vst v63  }
0x24: {  	v3 =	vld [tilespmem:$0x10];
	_ =	sdelay $0x4  }
0x25: {  	v4 =	vshrl.u32 v3, $0x3  }
0x26: {  	v4 =	vmul.u32 $0x30, v4  }
0x27: {  	v3 =	vand.u32 $0x7, v3  }
0x28: {  	v3 =	vor.u32 v3, v4  }
0x29: {  	v4 =	vperm.xlane v3, v0;
	_ =	sdelay $0x1  }
0x2a: {  	v4 =	vadd.s32 v1, v4;
	_ =	sdelay $0x3  }
0x2b: {  	s28 =	simm.s32 $0x3100;
	v3 =	vperm.xlane v3, v2  }
0x2c: {  	[tilespmem:s28], [sflag:$0x1] =	stream.indirect_vreg.gather [hbm4b:s2+s3], $0x80, v4, vm0, $0xb8;
	[tilespmem:$0x18100] =	vst v63  }
0x2d: {  	s31 =	simm.s32 $0x3900;
	v3 =	vadd.s32 v1, v3  }
0x2e: {  	[tilespmem:s31], [sflag:$0x1] =	stream.indirect_vreg.gather [hbm4b:s5+s3], $0x80, v4, vm0, $0xb8;
	[tilespmem:$0x18100] =	vst v63  }
0x2f: {  	s1 =	simm.s32 $0x4100  }
0x30: {  	[tilespmem:s1], [sflag:$0x1] =	stream.indirect_vreg.gather [hbm4b:s6+s3], $0x80, v4, vm0, $0xb8;
	[tilespmem:$0x18100] =	vst v63  }
0x31: {  	s4 =	simm.s32 $0x4900  }
0x32: {  	[tilespmem:s4], [sflag:$0x1] =	stream.indirect_vreg.gather [hbm4b:s2+s3], $0x80, v3, vm0, $0xb8;
	[tilespmem:$0x18100] =	vst v63  }
0x33: {  	s7 =	simm.s32 $0x5100  }
0x34: {  	[tilespmem:s7], [sflag:$0x1] =	stream.indirect_vreg.gather [hbm4b:s5+s3], $0x80, v3, vm0, $0xb8;
	[tilespmem:$0x18100] =	vst v63  }
0x35: {  	s8 =	simm.s32 $0x5900  }
0x36: {  	[tilespmem:s8], [sflag:$0x1] =	stream.indirect_vreg.gather [hbm4b:s6+s3], $0x80, v3, vm0, $0xb8;
	[tilespmem:$0x18100] =	vst v63  }
0x37: {  	v3 =	vld [tilespmem:$0x20];
	_ =	sdelay $0x4  }
0x38: {  	v4 =	vshrl.u32 v3, $0x3  }
0x39: {  	v4 =	vmul.u32 $0x30, v4  }
0x3a: {  	v3 =	vand.u32 $0x7, v3  }
0x3b: {  	v3 =	vor.u32 v3, v4  }
0x3c: {  	v4 =	vperm.xlane v3, v0;
	_ =	sdelay $0x1  }
0x3d: {  	v4 =	vadd.s32 v1, v4;
	_ =	sdelay $0x3  }
0x3e: {  	s9 =	simm.s32 $0x6100;
	v3 =	vperm.xlane v3, v2  }
0x3f: {  	[tilespmem:s9], [sflag:$0x2] =	stream.indirect_vreg.gather [hbm4b:s2+s3], $0x80, v4, vm0, $0xb8;
	[tilespmem:$0x18100] =	vst v63  }
0x40: {  	s10 =	simm.s32 $0x6900;
	v3 =	vadd.s32 v1, v3  }
0x41: {  	[tilespmem:s10], [sflag:$0x2] =	stream.indirect_vreg.gather [hbm4b:s5+s3], $0x80, v4, vm0, $0xb8;
	[tilespmem:$0x18100] =	vst v63  }
0x42: {  	s16 =	simm.s32 $0x7100  }
0x43: {  	[tilespmem:s16], [sflag:$0x2] =	stream.indirect_vreg.gather [hbm4b:s6+s3], $0x80, v4, vm0, $0xb8;
	[tilespmem:$0x18100] =	vst v63  }
0x44: {  	s17 =	simm.s32 $0x7900  }
0x45: {  	[tilespmem:s17], [sflag:$0x2] =	stream.indirect_vreg.gather [hbm4b:s2+s3], $0x80, v3, vm0, $0xb8;
	[tilespmem:$0x18100] =	vst v63  }
0x46: {  	s18 =	simm.s32 $0x8100  }
0x47: {  	[tilespmem:s18], [sflag:$0x2] =	stream.indirect_vreg.gather [hbm4b:s5+s3], $0x80, v3, vm0, $0xb8;
	[tilespmem:$0x18100] =	vst v63  }
0x48: {  	s19 =	simm.s32 $0x8900  }
0x49: {  	[tilespmem:s19], [sflag:$0x2] =	stream.indirect_vreg.gather [hbm4b:s6+s3], $0x80, v3, vm0, $0xb8;
	[tilespmem:$0x18100] =	vst v63  }
0x4a: {  	v3 =	vld [tilespmem:$0x30];
	_ =	sdelay $0x4  }
0x4b: {  	v4 =	vshrl.u32 v3, $0x3  }
0x4c: {  	v4 =	vmul.u32 $0x30, v4  }
0x4d: {  	v3 =	vand.u32 $0x7, v3  }
0x4e: {  	v3 =	vor.u32 v3, v4  }
0x4f: {  	v4 =	vperm.xlane v3, v0;
	_ =	sdelay $0x1  }
0x50: {  	v4 =	vadd.s32 v1, v4;
	_ =	sdelay $0x3  }
0x51: {  	s20 =	simm.s32 $0x9100;
	v3 =	vperm.xlane v3, v2  }
0x52: {  	[tilespmem:s20], [sflag:$0x2] =	stream.indirect_vreg.gather [hbm4b:s2+s3], $0x80, v4, vm0, $0xb8;
	[tilespmem:$0x18100] =	vst v63  }
0x53: {  	s22 =	simm.s32 $0x9900;
	v3 =	vadd.s32 v1, v3  }
0x54: {  	[tilespmem:s22], [sflag:$0x2] =	stream.indirect_vreg.gather [hbm4b:s5+s3], $0x80, v4, vm0, $0xb8;
	[tilespmem:$0x18100] =	vst v63  }
0x55: {  	p1 =	por $0x0, $0x0;
	s23 =	simm.s32 $0xA100  }
0x56: {  	[tilespmem:s23], [sflag:$0x2] =	stream.indirect_vreg.gather [hbm4b:s6+s3], $0x80, v4, vm0, $0xb8;
	[tilespmem:$0x18100] =	vst v63  }
0x57: {  	p0 =	por @!p1 $0x1, $0x1;
	s24 =	simm.s32 $0xA900;
	s28 =	simm.s32 $0x2  }
0x58: {  	[tilespmem:s24], [sflag:$0x2] =	stream.indirect_vreg.gather [hbm4b:s2+s3], $0x80, v3, vm0, $0xb8;
	[tilespmem:$0x18100] =	vst v63  }
0x59: {  	p0 =	por p0, p1;
	s25 =	simm.s32 $0xB100;
	s0 =	sand.u32 $0x3, s28  }
0x5a: {  	[tilespmem:s25], [sflag:$0x2] =	stream.indirect_vreg.gather [hbm4b:s5+s3], $0x80, v3, vm0, $0xb8;
	[tilespmem:$0x18100] =	vst v63  }
0x5b: {  	s26 =	simm.s32 $0xB900;
	s1 =	sadd.s32 @!p0 $0x5, s0  }
0x5c: {  	[tilespmem:s26], [sflag:$0x2] =	stream.indirect_vreg.gather [hbm4b:s6+s3], $0x80, v3, vm0, $0xb8;
	[tilespmem:$0x18100] =	vst v63  }
0x5d: {  	_ =	swait.ge @!p0 [sflag:s1], $0x6000  }
0x5e: {  	[sflag:s1] =	ssyncset.done @!p0 $0x0  }
0x5f: {  	s8 =	simm.s32 $0x50;
	[sflag:s1] =	ssyncadd.s32 @!p0 $0xFFFFA000;
	p0 =	por p1, p1  }
0x60: {  	v3 =	vld @!p0 [tilespmem:s8+$0xFFFFFFF0];
	_ =	sdelay $0x4  }
0x61: {  	v4 =	vshrl.u32 @!p0 v3, $0x3  }
0x62: {  	v4 =	vmul.u32 @!p0 $0x30, v4  }
0x63: {  	v5 =	vlaneseq.u32 @!p1;
	v3 =	vand.u32 @!p0 $0x7, v3  }
0x64: {  	v6 =	vand.u32 @!p0 $0x7, v5;
	v7 =	vshrl.u32 @!p0 v5, $0x3;
	v3 =	vor.u32 @!p0 v3, v4  }
0x65: {  	v4 =	vmul.u32 @!p0 $0x8, v7;
	v7 =	vperm.xlane @!p0 v3, v6;
	_ =	sdelay $0x1  }
0x66: {  	v7 =	vadd.s32 @!p0 v4, v7  }
0x67: {  	s1 =	smul.u32 @!p1 $0x18000, s0;
	_ =	sdelay $0x1  }
0x68: {  	v5 =	vor.u32 @!p1 $0x8, v5;
	s1 =	sshrl.u32 @!p1 s1, $0x2  }
0x69: {  	s20 =	sadd.s32 @!p0 $0x1, s0;
	vm1 =	vmmov @!p0 $0xffff;
	s22 =	simm.s32 @!p0 $0x0;
	s0 =	sor.u32 @!p0 $0x100, s1;
	v3 =	vperm.xlane @!p0 v3, v5  }
0x6a: {  	[tilespmem:s0], [sflag:s20] =	stream.indirect_vreg.gather @!p0 [hbm4b:s2+s22], $0x80, v7, vm1, $0xb8;
	[tilespmem:$0x18100] =	vst v63  }
0x6b: {  	v3 =	vadd.s32 @!p0 v4, v3;
	s0 =	sor.u32 @!p1 $0x900, s1  }
0x6c: {  	[tilespmem:s0], [sflag:s20] =	stream.indirect_vreg.gather @!p0 [hbm4b:s5+s22], $0x80, v7, vm1, $0xb8;
	[tilespmem:$0x18100] =	vst v63  }
0x6d: {  	s0 =	sor.u32 @!p1 $0x1100, s1  }
0x6e: {  	[tilespmem:s0], [sflag:s20] =	stream.indirect_vreg.gather @!p0 [hbm4b:s6+s22], $0x80, v7, vm1, $0xb8;
	[tilespmem:$0x18100] =	vst v63  }
0x6f: {  	s0 =	sor.u32 @!p1 $0x1900, s1  }
0x70: {  	[tilespmem:s0], [sflag:s20] =	stream.indirect_vreg.gather @!p0 [hbm4b:s2+s22], $0x80, v3, vm1, $0xb8;
	[tilespmem:$0x18100] =	vst v63  }
0x71: {  	s0 =	sadd.s32 @!p1 $0x2100, s1  }
0x72: {  	[tilespmem:s0], [sflag:s20] =	stream.indirect_vreg.gather @!p0 [hbm4b:s5+s22], $0x80, v3, vm1, $0xb8;
	[tilespmem:$0x18100] =	vst v63  }
0x73: {  	s0 =	sadd.s32 @!p1 $0x2900, s1  }
0x74: {  	[tilespmem:s0], [sflag:s20] =	stream.indirect_vreg.gather @!p0 [hbm4b:s6+s22], $0x80, v3, vm1, $0xb8;
	[tilespmem:$0x18100] =	vst v63  }
0x75: {  	v3 =	vld @!p0 [tilespmem:s8+$0x0];
	_ =	sdelay $0x4  }
0x76: {  	v7 =	vshrl.u32 @!p0 v3, $0x3  }
0x77: {  	v7 =	vmul.u32 @!p0 $0x30, v7  }
0x78: {  	v3 =	vand.u32 @!p0 $0x7, v3  }
0x79: {  	v3 =	vor.u32 @!p0 v3, v7  }
0x7a: {  	v6 =	vperm.xlane @!p0 v3, v6;
	_ =	sdelay $0x1  }
0x7b: {  	v6 =	vadd.s32 @!p0 v4, v6;
	_ =	sdelay $0x1  }
0x7c: {  	s31 =	simm.s32 $0x3  }
0x7d: {  	p2 =	por $0x0, $0x0;
	s29 =	sand.u32 $0x3, s31;
	s10 =	sand.u32 $0x3, s3  }
0x7e: {  	s30 =	smul.u32 $0x18000, s10;
	s16 =	simm.s32 $0x1;
	s0 =	sadd.s32 @!p0 $0x3100, s1  }
0x7f: {  	[tilespmem:s0], [sflag:s20] =	stream.indirect_vreg.gather @!p0 [hbm4b:s2+s22], $0x80, v6, vm1, $0xb8;
	[tilespmem:$0x18100] =	vst v63  }
0x80: {  	s17 =	sadd.s32 $0xC00, s21;
	s18 =	simm.s32 $0x70;
	v3 =	vperm.xlane @!p0 v3, v5;
	s0 =	sadd.s32 @!p1 $0x3900, s1  }
0x81: {  	[tilespmem:s0], [sflag:s20] =	stream.indirect_vreg.gather @!p0 [hbm4b:s5+s22], $0x80, v6, vm1, $0xb8;
	[tilespmem:$0x18100] =	vst v63  }
0x82: {  	s19 =	simm.s32 $0x2;
	s24 =	sadd.s32 @!p1 $0x4900, s1;
	s8 =	sadd.s32 @!p1 $0x4100, s1;
	v4 =	vadd.s32 @!p0 v4, v3  }
0x83: {  	[tilespmem:s8], [sflag:s20] =	stream.indirect_vreg.gather @!p0 [hbm4b:s6+s22], $0x80, v6, vm1, $0xb8;
	[tilespmem:$0x18100] =	vst v63  }
0x84: {  	s25 =	sadd.s32 @!p1 $0x5100, s1;
	s23 =	sadd.s32 @!p1 $0x5900, s1;
	v3 =	vlaneseq.u32 @!p2;
	s8 =	smov.u32 s21  }
.LBB2_2:
0x85: {  	p3 =	slt.u32 @!p2 s16, $0x2;
	s0 =	smul.u32 @!p2 $0x18000, s29  }
0x86: {  	s26 =	smov.u32 s16;
	s16 =	smov.u32 s19;
	s19 =	sadd.s32 $0x1, s19  }
0x87: {  	[tilespmem:s24], [sflag:s20] =	stream.indirect_vreg.gather @!p0 [hbm4b:s2+s22], $0x80, v4, vm1, $0xb8;
	[tilespmem:$0x18100] =	vst v63  }
0x88: {  	p1 =	sne.s32 s19, $0x8;
	p3 =	por p3, p2;
	s31 =	sshrl.u32 @!p2 s0, $0x2  }
0x89: {  	[tilespmem:s25], [sflag:s20] =	stream.indirect_vreg.gather @!p0 [hbm4b:s5+s22], $0x80, v4, vm1, $0xb8;
	[tilespmem:$0x18100] =	vst v63  }
0x8a: {  	s24 =	sshrl.u32 s30, $0x2;
	s0 =	sor.u32 @!p2 $0x900, s31;
	s1 =	sor.u32 @!p2 $0x1100, s31  }
0x8b: {  	s7 =	sadd.s32 $0x5, s10;
	s4 =	sor.u32 $0x100, s24;
	s25 =	sadd.s32 $0x1, s10  }
0x8c: {  	[tilespmem:s23], [sflag:s20] =	stream.indirect_vreg.gather @!p0 [hbm4b:s6+s22], $0x80, v4, vm1, $0xb8;
	[tilespmem:$0x18100] =	vst v63  }
0x8d: {  	s10 =	sor.u32 @!p2 $0x1900, s31;
	s30 =	sadd.s32 @!p2 $0x3900, s31;
	_ =	swait.ge [sflag:s25], $0x6000  }
0x8e: {  	s28 =	sadd.s32 @!p2 $0x4100, s31;
	s24 =	sadd.s32 @!p2 $0x4900, s31;
	[sflag:s25] =	ssyncset.done $0x0  }
0x8f: {  	s9 =	sadd.s32 @!p2 $0x2100, s31;
	s20 =	sadd.s32 @!p3 $0x5, s29;
	[sflag:s25] =	ssyncadd.s32 $0xFFFFA000  }
0x90: {  	[hbm4b:s8+s3] =	stream.linear.scatter [tilespmem:s4], [sflag:s7], $0x6000, $0x38;
	[tilespmem:$0x18100] =	vst v63  }
0x91: {  	s25 =	sadd.s32 @!p2 $0x5100, s31;
	s4 =	sadd.s32 @!p2 $0x2900, s31;
	_ =	swait.ge @!p3 [sflag:s20], $0x6000  }
0x92: {  	s23 =	sadd.s32 @!p2 $0x5900, s31;
	s8 =	smov.u32 s17;
	[sflag:s20] =	ssyncset.done @!p3 $0x0  }
0x93: {  	v4 =	vor.u32 @!p2 $0x8, v3;
	p0 =	por p2, p2;
	[sflag:s20] =	ssyncadd.s32 @!p3 $0xFFFFA000  }
0x94: {  	v6 =	vand.u32 @!p0 $0x7, v3;
	v3 =	vshrl.u32 @!p0 v3, $0x3;
	v5 =	vld @!p0 [tilespmem:s18+$0xFFFFFFF0]  }
0x95: {  	v3 =	vmul.u32 @!p0 $0x8, v3;
	_ =	sdelay $0x3  }
0x96: {  	v7 =	vshrl.u32 @!p0 v5, $0x3;
	v5 =	vand.u32 @!p0 $0x7, v5  }
0x97: {  	v7 =	vmul.u32 @!p0 $0x30, v7  }
0x98: {  	vm1 =	vmmov @!p0 $0xffff;
	s22 =	simm.s32 @!p0 $0x0;
	s20 =	sadd.s32 @!p0 $0x1, s29  }
0x99: {  	v5 =	vor.u32 @!p0 v5, v7  }
0x9a: {  	v7 =	vperm.xlane @!p0 v5, v6;
	v5 =	vperm.xlane @!p0 v5, v4  }
0x9b: {  	s7 =	sor.u32 @!p0 $0x100, s31  }
0x9c: {  	v7 =	vadd.s32 @!p0 v3, v7;
	_ =	sdelay $0x4  }
0x9d: {  	[tilespmem:s7], [sflag:s20] =	stream.indirect_vreg.gather @!p0 [hbm4b:s2+s22], $0x80, v7, vm1, $0xb8;
	[tilespmem:$0x18100] =	vst v63  }
0x9e: {  	v5 =	vadd.s32 @!p0 v3, v5  }
0x9f: {  	[tilespmem:s0], [sflag:s20] =	stream.indirect_vreg.gather @!p0 [hbm4b:s5+s22], $0x80, v7, vm1, $0xb8;
	[tilespmem:$0x18100] =	vst v63  }
0xa0: {  	_ = 	snop  }
0xa1: {  	[tilespmem:s1], [sflag:s20] =	stream.indirect_vreg.gather @!p0 [hbm4b:s6+s22], $0x80, v7, vm1, $0xb8;
	[tilespmem:$0x18100] =	vst v63  }
0xa2: {  	_ = 	snop  }
0xa3: {  	[tilespmem:s10], [sflag:s20] =	stream.indirect_vreg.gather @!p0 [hbm4b:s2+s22], $0x80, v5, vm1, $0xb8;
	[tilespmem:$0x18100] =	vst v63  }
0xa4: {  	_ = 	snop  }
0xa5: {  	[tilespmem:s9], [sflag:s20] =	stream.indirect_vreg.gather @!p0 [hbm4b:s5+s22], $0x80, v5, vm1, $0xb8;
	[tilespmem:$0x18100] =	vst v63  }
0xa6: {  	_ = 	snop  }
0xa7: {  	[tilespmem:s4], [sflag:s20] =	stream.indirect_vreg.gather @!p0 [hbm4b:s6+s22], $0x80, v5, vm1, $0xb8;
	[tilespmem:$0x18100] =	vst v63  }
0xa8: {  	v5 =	vld @!p0 [tilespmem:s18+$0x0];
	_ =	sdelay $0x4  }
0xa9: {  	v7 =	vshrl.u32 @!p0 v5, $0x3;
	v5 =	vand.u32 @!p0 $0x7, v5  }
0xaa: {  	v7 =	vmul.u32 @!p0 $0x30, v7;
	_ =	sdelay $0x1  }
0xab: {  	v5 =	vor.u32 @!p0 v5, v7  }
0xac: {  	v6 =	vperm.xlane @!p0 v5, v6;
	v4 =	vperm.xlane @!p0 v5, v4  }
0xad: {  	s0 =	sadd.s32 @!p0 $0x3100, s31  }
0xae: {  	v5 =	vadd.s32 @!p0 v3, v6  }
0xaf: {  	v4 =	vadd.s32 @!p0 v3, v4;
	_ =	sdelay $0x2  }
0xb0: {  	s18 =	sadd.s32 $0x20, s18  }
0xb1: {  	[tilespmem:s0], [sflag:s20] =	stream.indirect_vreg.gather @!p0 [hbm4b:s2+s22], $0x80, v5, vm1, $0xb8;
	[tilespmem:$0x18100] =	vst v63  }
.Ltmp0:
0xb2: {  	_ = 	snop;
	(pc) =	sbr.rel @p1 .LBB2_2-.Ltmp0, $4  }
0xb3: {  	s17 =	sadd.s32 $0xC00, s17;
	s10 =	sand.u32 $0x3, s26;
	s0 =	sadd.s32 $0x2, s16  }
0xb4: {  	[tilespmem:s30], [sflag:s20] =	stream.indirect_vreg.gather @!p0 [hbm4b:s5+s22], $0x80, v5, vm1, $0xb8;
	[tilespmem:$0x18100] =	vst v63  }
0xb5: {  	p2 =	sgt.u32 s16, $0x5;
	s29 =	sand.u32 $0x3, s0;
	s30 =	smul.u32 $0x18000, s10  }
0xb6: {  	v3 =	vlaneseq.u32 @!p2;
	[tilespmem:s28], [sflag:s20] =	stream.indirect_vreg.gather @!p0 [hbm4b:s6+s22], $0x80, v5, vm1, $0xb8;
	[tilespmem:$0x18100] =	vst v63  }
0xb7: {  	_ =	sdelay $0x3  }
0xb8: {  	[tilespmem:s24], [sflag:s20] =	stream.indirect_vreg.gather @!p0 [hbm4b:s2+s22], $0x80, v4, vm1, $0xb8;
	[tilespmem:$0x18100] =	vst v63  }
0xb9: {  	_ = 	snop  }
0xba: {  	[tilespmem:s25], [sflag:s20] =	stream.indirect_vreg.gather @!p0 [hbm4b:s5+s22], $0x80, v4, vm1, $0xb8;
	[tilespmem:$0x18100] =	vst v63  }
0xbb: {  	s0 =	sadd.s32 $0x1, s10  }
0xbc: {  	[tilespmem:s23], [sflag:s20] =	stream.indirect_vreg.gather @!p0 [hbm4b:s6+s22], $0x80, v4, vm1, $0xb8;
	[tilespmem:$0x18100] =	vst v63  }
0xbd: {  	s26 =	sshrl.u32 s30, $0x2;
	_ =	swait.ge [sflag:s0], $0x6000  }
0xbe: {  	s1 =	sadd.s32 $0x5, s10;
	p0 =	slt.u32 @!p2 s16, $0x2;
	[sflag:s0] =	ssyncset.done $0x0  }
0xbf: {  	p0 =	por p0, p2;
	[sflag:s0] =	ssyncadd.s32 $0xFFFFA000;
	s0 =	sor.u32 $0x100, s26  }
0xc0: {  	[hbm4b:s8+s3] =	stream.linear.scatter [tilespmem:s0], [sflag:s1], $0x6000, $0x38;
	[tilespmem:$0x18100] =	vst v63  }
0xc1: {  	s0 =	sadd.s32 @!p0 $0x5, s29  }
0xc2: {  	_ =	swait.ge @!p0 [sflag:s0], $0x6000  }
0xc3: {  	[sflag:s0] =	ssyncset.done @!p0 $0x0  }
0xc4: {  	[sflag:s0] =	ssyncadd.s32 @!p0 $0xFFFFA000;
	p0 =	por p2, p2  }
0xc5: {  	v4 =	vld @!p0 [tilespmem:s18+$0xFFFFFFF0];
	_ =	sdelay $0x4  }
0xc6: {  	v5 =	vshrl.u32 @!p0 v4, $0x3  }
0xc7: {  	v5 =	vmul.u32 @!p0 $0x30, v5  }
0xc8: {  	v4 =	vand.u32 @!p0 $0x7, v4  }
0xc9: {  	v6 =	vand.u32 @!p0 $0x7, v3;
	v7 =	vshrl.u32 @!p0 v3, $0x3;
	v4 =	vor.u32 @!p0 v4, v5  }
0xca: {  	v5 =	vmul.u32 @!p0 $0x8, v7;
	v7 =	vperm.xlane @!p0 v4, v6;
	_ =	sdelay $0x1  }
0xcb: {  	v7 =	vadd.s32 @!p0 v5, v7  }
0xcc: {  	s0 =	smul.u32 @!p2 $0x18000, s29;
	_ =	sdelay $0x1  }
0xcd: {  	v3 =	vor.u32 @!p2 $0x8, v3;
	s0 =	sshrl.u32 @!p2 s0, $0x2  }
0xce: {  	s1 =	sadd.s32 @!p0 $0x1, s29;
	vm1 =	vmmov @!p0 $0xffff;
	s4 =	simm.s32 @!p0 $0x0;
	s7 =	sor.u32 @!p0 $0x100, s0;
	v4 =	vperm.xlane @!p0 v4, v3  }
0xcf: {  	[tilespmem:s7], [sflag:s1] =	stream.indirect_vreg.gather @!p0 [hbm4b:s2+s4], $0x80, v7, vm1, $0xb8;
	[tilespmem:$0x18100] =	vst v63  }
0xd0: {  	v4 =	vadd.s32 @!p0 v5, v4;
	s7 =	sor.u32 @!p2 $0x900, s0  }
0xd1: {  	[tilespmem:s7], [sflag:s1] =	stream.indirect_vreg.gather @!p0 [hbm4b:s5+s4], $0x80, v7, vm1, $0xb8;
	[tilespmem:$0x18100] =	vst v63  }
0xd2: {  	s7 =	sor.u32 @!p2 $0x1100, s0  }
0xd3: {  	[tilespmem:s7], [sflag:s1] =	stream.indirect_vreg.gather @!p0 [hbm4b:s6+s4], $0x80, v7, vm1, $0xb8;
	[tilespmem:$0x18100] =	vst v63  }
0xd4: {  	s7 =	sor.u32 @!p2 $0x1900, s0  }
0xd5: {  	[tilespmem:s7], [sflag:s1] =	stream.indirect_vreg.gather @!p0 [hbm4b:s2+s4], $0x80, v4, vm1, $0xb8;
	[tilespmem:$0x18100] =	vst v63  }
0xd6: {  	s7 =	sadd.s32 @!p2 $0x2100, s0  }
0xd7: {  	[tilespmem:s7], [sflag:s1] =	stream.indirect_vreg.gather @!p0 [hbm4b:s5+s4], $0x80, v4, vm1, $0xb8;
	[tilespmem:$0x18100] =	vst v63  }
0xd8: {  	s7 =	sadd.s32 @!p2 $0x2900, s0  }
0xd9: {  	[tilespmem:s7], [sflag:s1] =	stream.indirect_vreg.gather @!p0 [hbm4b:s6+s4], $0x80, v4, vm1, $0xb8;
	[tilespmem:$0x18100] =	vst v63  }
0xda: {  	v4 =	vld @!p0 [tilespmem:s18+$0x0];
	_ =	sdelay $0x4  }
0xdb: {  	v7 =	vshrl.u32 @!p0 v4, $0x3  }
0xdc: {  	v7 =	vmul.u32 @!p0 $0x30, v7  }
0xdd: {  	v4 =	vand.u32 @!p0 $0x7, v4  }
0xde: {  	v4 =	vor.u32 @!p0 v4, v7  }
0xdf: {  	v6 =	vperm.xlane @!p0 v4, v6;
	_ =	sdelay $0x1  }
0xe0: {  	v6 =	vadd.s32 @!p0 v5, v6;
	_ =	sdelay $0x3  }
0xe1: {  	s7 =	sadd.s32 @!p0 $0x3100, s0;
	v3 =	vperm.xlane @!p0 v4, v3  }
0xe2: {  	[tilespmem:s7], [sflag:s1] =	stream.indirect_vreg.gather @!p0 [hbm4b:s2+s4], $0x80, v6, vm1, $0xb8;
	[tilespmem:$0x18100] =	vst v63  }
0xe3: {  	v3 =	vadd.s32 @!p0 v5, v3;
	s7 =	sadd.s32 @!p2 $0x3900, s0  }
0xe4: {  	[tilespmem:s7], [sflag:s1] =	stream.indirect_vreg.gather @!p0 [hbm4b:s5+s4], $0x80, v6, vm1, $0xb8;
	[tilespmem:$0x18100] =	vst v63  }
0xe5: {  	s7 =	sadd.s32 @!p2 $0x4100, s0  }
0xe6: {  	[tilespmem:s7], [sflag:s1] =	stream.indirect_vreg.gather @!p0 [hbm4b:s6+s4], $0x80, v6, vm1, $0xb8;
	[tilespmem:$0x18100] =	vst v63  }
0xe7: {  	s7 =	sadd.s32 @!p2 $0x4900, s0  }
0xe8: {  	[tilespmem:s7], [sflag:s1] =	stream.indirect_vreg.gather @!p0 [hbm4b:s2+s4], $0x80, v3, vm1, $0xb8;
	[tilespmem:$0x18100] =	vst v63  }
0xe9: {  	s28 =	sand.u32 $0x3, s16;
	s7 =	sadd.s32 @!p2 $0x5100, s0  }
0xea: {  	[tilespmem:s7], [sflag:s1] =	stream.indirect_vreg.gather @!p0 [hbm4b:s5+s4], $0x80, v3, vm1, $0xb8;
	[tilespmem:$0x18100] =	vst v63  }
0xeb: {  	s30 =	sadd.s32 $0x1, s28;
	s29 =	smul.u32 $0x18000, s28;
	s0 =	sadd.s32 @!p2 $0x5900, s0  }
0xec: {  	[tilespmem:s0], [sflag:s1] =	stream.indirect_vreg.gather @!p0 [hbm4b:s6+s4], $0x80, v3, vm1, $0xb8;
	[tilespmem:$0x18100] =	vst v63  }
0xed: {  	_ =	swait.ge [sflag:s30], $0x6000  }
0xee: {  	s1 =	sshrl.u32 s29, $0x2;
	[sflag:s30] =	ssyncset.done $0x0  }
0xef: {  	s0 =	sadd.s32 $0x5, s28;
	s1 =	sor.u32 $0x100, s1;
	[sflag:s30] =	ssyncadd.s32 $0xFFFFA000  }
0xf0: {  	[hbm4b:s17+s3] =	stream.linear.scatter [tilespmem:s1], [sflag:s0], $0x6000, $0x38;
	[tilespmem:$0x18100] =	vst v63  }
0xf1: {  	_ =	swait.ge [sflag:s11], $0x6000  }
0xf2: {  	[sflag:s11] =	ssyncset.done $0x0  }
0xf3: {  	[sflag:s11] =	ssyncadd.s32 $0xFFFFA000  }
0xf4: {  	_ =	swait.ge [sflag:s12], $0x6000  }
0xf5: {  	[sflag:s12] =	ssyncset.done $0x0  }
0xf6: {  	[sflag:s12] =	ssyncadd.s32 $0xFFFFA000  }
0xf7: {  	_ =	swait.ge [sflag:s13], $0x6000  }
0xf8: {  	[sflag:s13] =	ssyncset.done $0x0  }
0xf9: {  	[sflag:s13] =	ssyncadd.s32 $0xFFFFA000  }
0xfa: {  	_ =	swait.ge [sflag:s14], $0x6000  }
0xfb: {  	s15 =	sadd.s32 $0x1, s15;
	s31 =	rddreg [dreg:$0x4]  }
0xfc: {  	p0 =	sne.s32 s15, s31  }
.Ltmp1:
0xfd: {  	_ = 	snop;
	(pc) =	sbr.rel @p0 .LBB2_1-.Ltmp1, $3  }
0xfe: {  	_ =	sdelay $0x1  }
0xff: {  	[sflag:s14] =	ssyncset.done $0x0  }
0x100: {  	[sflag:s14] =	ssyncadd.s32 $0xFFFFA000  }
0x101: {  	_ =	sfence.sel $0x180000  }
0x102: {  	[bflag:$0x0] =	sbarrier.arrive $0xFFFF  }
0x103: {  	_ =	strace $0x90000047  }
0x104: {  	s0 =	stileid.u32;
	[bflag:$0x2] =	sbarrier.arrive $0xFFFF  }
0x105: {  	p0 =	sne.s32 s0, $0x0;
	s0 =	rddreg [dreg:$0x2]  }
0x106: {  	s0 =	sadd.s32 @!p0 $0x100000, s0  }
0x107: {  	[sflag:s0] =	ssyncadd.tile.s32 @!p0 $0x1;
	_ =	shalt  }
.Lfunc_end2:
_tile_overlayer_lowered:
.L_overlay_start_2:
0x108: {  	(tag) =	ssettag $0x2  }
0x109: {  	s0 =	rddreg [dreg:$0x0];
	s2 =	stileid.u32  }
0x10a: {  	s1 =	rddreg [dreg:$0x1];
	p0 =	sne.s32 s2, $0x0  }
0x10b: {  	s3 =	rddreg [dreg:$0x2];
	[bflag:$0x3] =	sbarrier.arrive $0xFFFF;
	s2 =	simm.s32 @!p0 $0x1C09  }
0x10c: {  	[timem:s3], [sflag:s2] =	dma.local @!p0 [hbm:s0], s1  }
0x10d: {  	s0 =	simm.s32 @!p0 $0x9  }
0x10e: {  	_ =	swait.ge @!p0 [sflag:s0], s1  }
0x10f: {  	s1 =	ssub.s32 @!p0 $0x0, s1;
	[sflag:s0] =	ssyncset.done @!p0 $0x0  }
0x110: {  	[sflag:s0] =	ssyncadd.s32 @!p0 s1  }
0x111: {  	[bflag:$0x3] =	sbarrier.arrive $0xFFFF  }
0x112: {  	_ =	shalt  }

// kernel: kernel.9.cloned.1.call-start
scs
__scs_entry_jumppad:
0x0: {  	(pc) =	sbr.rel $0x88, $3  }
0x1: {  	(tag) =	ssettag $0x0;
	lr =	simm.s32 $0x1  }
0x2: {  	[smem:$0x3F9A] =	sst lr;
	_ =	strace $0xD0000000  }
0x3: {  	_ = 	snop  }
0x4: {  	_ = 	snop  }
0x5: {  	_ = 	snop  }
0x6: {  	_ = 	snop  }
0x7: {  	_ = 	snop  }
__scs_overlays_trampoline_lowered:
0x8: {  	[smem:$0x3FA9] =	sst s0  }
0x9: {  	[smem:$0x3FAA] =	sst s1  }
0xa: {  	[smem:$0x3FAB] =	sst s2  }
0xb: {  	[smem:$0x3FAC] =	sst s3  }
0xc: {  	[smem:$0x3FAD] =	sst s4  }
0xd: {  	[smem:$0x3FAE] =	sst s5  }
0xe: {  	[smem:$0x3FAF] =	sst s6  }
0xf: {  	[smem:$0x3FB0] =	sst s7  }
0x10: {  	[smem:$0x3FB1] =	sst s8  }
0x11: {  	[smem:$0x3FB2] =	sst s9;
	s0 =	simm.s32 @!p0 $0x0  }
0x12: {  	s1 =	sld [smem:$0x3F98];
	s0 =	simm.s32 @p0 $0x1  }
0x13: {  	[smem:$0x3FB3] =	sst s0;
	s0 =	simm.s32 @!p1 $0x0  }
0x14: {  	s2 =	sld [smem:$0x3F97];
	s0 =	simm.s32 @p1 $0x1  }
0x15: {  	[smem:$0x3FB4] =	sst s0;
	s0 =	simm.s32 @!p2 $0x0  }
0x16: {  	s3 =	sld [smem:$0x3FDB];
	s0 =	simm.s32 @p2 $0x1  }
0x17: {  	s4 =	simm.s32 $0x1BF5;
	[smem:$0x3FB6] =	sst s0  }
0x18: {  	s0 =	sld [smem:$0x3F99];
	_ =	swait.ge [sflag:s4], $0x0  }
0x19: {  	s7 =	sld [smem:$0x3F9A]  }
0x1a: {  	s8 =	sadd.s32 $0xFFFFE003, lr  }
0x1b: {  	s9 =	sadd.s32 $0xFFFFFEF7, lr;
	s5 =	simm.s32 $0xFFFFFFFF;
	p2 =	slt.u32 s8, $0xFFFFF086  }
0x1c: {  	p1 =	slt.u32 s9, $0xF7A;
	s5 =	simm.s32 @!p2 $0x0  }
0x1d: {  	s5 =	simm.s32 @p1 $0x1;
	p0 =	seq.s32 s7, s2  }
0x1e: {  	s7 =	smul.u32 @!p0 $0xF7A, s2;
	p2 =	seq.s32 @!p0 s5, $0x0  }
0x1f: {  	s9 =	smul.u32 $0xF7A, s1;
	s8 =	simm.s32 @!p0 $0x1BF5;
	p2 =	por !p2, p0  }
0x20: {  	[sflag:s8] =	ssyncset.s32 @!p0 $0xFFFFF086;
	s6 =	sadd.s32 @!p0 s3, s7;
	s7 =	simm.s32 @!p0 $0x108  }
0x21: {  	s3 =	sadd.s32 s3, s9;
	s6 =	sadd.s32 @!p0 $0x88, s6;
	s7 =	simm.s32 @p2 $0x1082  }
0x22: {  	[simem:s7], [sflag:s8] =	dma.local @!p0 [hbm:s6], $0xF7A  }
0x23: {  	s9 =	sor.u32 $0xD0000000, s2;
	s6 =	simm.s32 $0x108;
	_ =	swait.ge @!p0 [sflag:s8], $0x0  }
0x24: {  	s3 =	sadd.s32 $0x88, s3;
	s6 =	simm.s32 @!p1 $0x1082;
	[sflag:s4] =	ssyncset.s32 $0xFFFFF086  }
0x25: {  	[simem:s6], [sflag:s4] =	dma.local [hbm:s3], $0xF7A  }
0x26: {  	[smem:$0x3F9A] =	sst s1;
	(tag) =	ssettag s2;
	_ =	strace s9  }
0x27: {  	s1 =	sld [smem:$0x3FAA]  }
0x28: {  	s2 =	sld [smem:$0x3FAB]  }
0x29: {  	s4 =	sld [smem:$0x3FAD]  }
0x2a: {  	p0 =	seq.s32 s5, $0x0;
	s5 =	sld [smem:$0x3FAE]  }
0x2b: {  	s6 =	sld [smem:$0x3FAF]  }
0x2c: {  	s7 =	sld [smem:$0x3FB0]  }
0x2d: {  	s3 =	simm.s32 $0x108;
	s8 =	sld [smem:$0x3FB1]  }
0x2e: {  	s3 =	simm.s32 @!p0 $0x1082;
	s9 =	sld [smem:$0x3FB2]  }
0x2f: {  	lr =	sadd.s32 s0, s3;
	s0 =	sld [smem:$0x3FA9]  }
0x30: {  	s3 =	sld [smem:$0x3FAC]  }
0x31: {  	[smem:$0x3FB5] =	sst s10  }
0x32: {  	s10 =	sld [smem:$0x3FB3];
	_ =	sdelay $0x3  }
0x33: {  	p0 =	seq.s32 s10, $0x1;
	s10 =	sld [smem:$0x3FB5];
	_ =	sdelay $0x3  }
0x34: {  	[smem:$0x3FB5] =	sst s10  }
0x35: {  	s10 =	sld [smem:$0x3FB4];
	_ =	sdelay $0x3  }
0x36: {  	p1 =	seq.s32 s10, $0x1;
	s10 =	sld [smem:$0x3FB5];
	_ =	sdelay $0x3  }
0x37: {  	[smem:$0x3FB5] =	sst s10  }
0x38: {  	s10 =	sld [smem:$0x3FB6]  }
0x39: {  	_ = 	snop;
	(pc) =	sbr.ind lr, $3  }
0x3a: {  	_ = 	snop  }
0x3b: {  	_ = 	snop  }
0x3c: {  	p2 =	seq.s32 s10, $0x1;
	s10 =	sld [smem:$0x3FB5]  }
0x3d: {  	_ =	shalt  }
0x3e: {  	_ =	shalt  }
0x3f: {  	_ =	shalt  }
0x40: {  	_ =	shalt  }
0x41: {  	_ =	shalt  }
0x42: {  	_ =	shalt  }
0x43: {  	_ =	shalt  }
0x44: {  	_ =	shalt  }
0x45: {  	_ =	shalt  }
0x46: {  	_ =	shalt  }
0x47: {  	_ =	shalt  }
0x48: {  	_ =	shalt  }
0x49: {  	_ =	shalt  }
0x4a: {  	_ =	shalt  }
0x4b: {  	_ =	shalt  }
0x4c: {  	_ =	shalt  }
0x4d: {  	_ =	shalt  }
0x4e: {  	_ =	shalt  }
0x4f: {  	_ =	shalt  }
0x50: {  	_ =	shalt  }
0x51: {  	_ =	shalt  }
0x52: {  	_ =	shalt  }
0x53: {  	_ =	shalt  }
0x54: {  	_ =	shalt  }
0x55: {  	_ =	shalt  }
0x56: {  	_ =	shalt  }
0x57: {  	_ =	shalt  }
0x58: {  	_ =	shalt  }
0x59: {  	_ =	shalt  }
0x5a: {  	_ =	shalt  }
0x5b: {  	_ =	shalt  }
0x5c: {  	_ =	shalt  }
0x5d: {  	_ =	shalt  }
0x5e: {  	_ =	shalt  }
0x5f: {  	_ =	shalt  }
0x60: {  	_ =	shalt  }
0x61: {  	_ =	shalt  }
0x62: {  	_ =	shalt  }
0x63: {  	_ =	shalt  }
0x64: {  	_ =	shalt  }
0x65: {  	_ =	shalt  }
0x66: {  	_ =	shalt  }
0x67: {  	_ =	shalt  }
0x68: {  	_ =	shalt  }
0x69: {  	_ =	shalt  }
0x6a: {  	_ =	shalt  }
0x6b: {  	_ =	shalt  }
0x6c: {  	_ =	shalt  }
0x6d: {  	_ =	shalt  }
0x6e: {  	_ =	shalt  }
0x6f: {  	_ =	shalt  }
0x70: {  	_ =	shalt  }
0x71: {  	_ =	shalt  }
0x72: {  	_ =	shalt  }
0x73: {  	_ =	shalt  }
0x74: {  	_ =	shalt  }
0x75: {  	_ =	shalt  }
0x76: {  	_ =	shalt  }
0x77: {  	_ =	shalt  }
0x78: {  	_ =	shalt  }
0x79: {  	_ =	shalt  }
0x7a: {  	_ =	shalt  }
0x7b: {  	_ =	shalt  }
0x7c: {  	_ =	shalt  }
0x7d: {  	_ =	shalt  }
0x7e: {  	_ =	shalt  }
0x7f: {  	_ =	shalt  }
0x80: {  	_ =	shalt  }
0x81: {  	_ =	shalt  }
0x82: {  	_ =	shalt  }
0x83: {  	_ =	shalt  }
0x84: {  	_ =	shalt  }
0x85: {  	_ =	shalt  }
0x86: {  	_ =	shalt  }
0x87: {  	_ =	shalt  }
.Lfunc_end0:
.L_simem_size_0:
called_computation.1_lowered:
.L_overlay_start_0:
0x88: {  	s2 =	sld [smem:$0x3FD9]  }
0x89: {  	s3 =	sld [smem:$0x3FFE];
	_ =	sdelay $0x1  }
0x8a: {  	s1 =	srdreg.scid  }
0x8b: {  	s0 =	sand.u32 $0x1, s1  }
0x8c: {  	s17 =	sshll.u32 s0, $0xA;
	s2 =	sadd.s32 s3, s2  }
0x8d: {  	s2 =	sadd.s32 s2, s17  }
0x8e: {  	[smem:$0x3FC1] =	sst s2  }
0x8f: {  	_ = 	snop  }
0x90: {  	s18 =	sld [smem:$0x3FC7];
	(tm) =	ssettm $0x1  }
0x91: {  	s19 =	sld [smem:$0x3FFB];
	_ =	sdelay $0x3  }
0x92: {  	_ =	strace s19  }
0x93: {  	s2 =	sld [smem:$0x3FFC];
	_ =	sdelay $0x3  }
0x94: {  	_ =	strace s2  }
0x95: {  	s2 =	sld [smem:$0x3FFD];
	_ =	sdelay $0x3  }
0x96: {  	_ =	strace s2  }
0x97: {  	_ =	strace $0x8FFFFFFF  }
0x98: {  	s20 =	sld [smem:$0x3FDB];
	_ =	sdelay $0x1  }
0x99: {  	s4 =	simm.s32 $_scs_section_size  }
0x9a: {  	s5 =	simm.s32 $_size__tile_overlayer_lowered;
	s6 =	simm.s32 $_tile_overlayer_lowered  }
0x9b: {  	s7 =	simm.s32 $0x1BFF;
	s21 =	sshll.u32 s6, $0x1;
	s4 =	sadd.s32 s4, s20  }
0x9c: {  	s22 =	simm.s32 $0x0;
	s5 =	sshll.u32 s5, $0x1;
	s6 =	sadd.s32 s21, s4  }
0x9d: {  	[timem:s22], [sflag:s7] =	dma.local [hbm:s6], s5  }
0x9e: {  	_ =	swait.ge [sflag:s7], s5  }
0x9f: {  	s5 =	ssub.s32 $0x0, s5;
	[sflag:s7] =	ssyncset.done $0x0  }
0xa0: {  	[sflag:s7] =	ssyncadd.s32 s5;
	_ =	sdelay $0x1  }
0xa1: {  	s23 =	simm.s32 $0x1B8B  }
0xa2: {  	_ =	swait.ge [sflag:s23], $0x1  }
0xa3: {  	[sflag:s23] =	ssyncset.done $0x0  }
0xa4: {  	[sflag:s23] =	ssyncadd.s32 $0xFFFFFFFF  }
0xa5: {  	s5 =	sld [smem:$0x0]  }
0xa6: {  	s6 =	sand.u32 $0xFFFFFFFE, s1  }
0xa7: {  	p0 =	sne.s32 s1, s6  }
0xa8: {  	s6 =	sshll.u32 @p0 s6, $0xE  }
0xa9: {  	s6 =	sadd.s32 @p0 $0x11B8D, s6;
	s7 =	sshll.u32 @p0 s5, $0x11  }
0xaa: {  	s6 =	sor.u32 @p0 s7, s6  }
0xab: {  	[sflag:s6] =	ssyncadd.remote.s32 @p0 $0x1;
	_ =	sdelay $0x1  }
0xac: {  	s6 =	simm.s32 @p0 $0x1B8D  }
0xad: {  	_ =	swait.eq @p0 [sflag:s6], $0x1  }
0xae: {  	[sflag:s6] =	ssyncadd.s32 @p0 $0xFFFFFFFF  }
0xaf: {  	s7 =	sshll.u32 @!p0 s1, $0xE  }
0xb0: {  	s7 =	sor.u32 @!p0 $0x4000, s7;
	s6 =	simm.s32 @!p0 $0x1B8D  }
0xb1: {  	s5 =	sshll.u32 @!p0 s5, $0x11;
	s7 =	sadd.s32 @!p0 $0x11B8D, s7;
	_ =	swait.eq @!p0 [sflag:s6], $0x1  }
0xb2: {  	s5 =	sor.u32 @!p0 s5, s7;
	[sflag:s6] =	ssyncadd.s32 @!p0 $0xFFFFFFFF  }
0xb3: {  	s25 =	simm.s32 $0x1B8E;
	s24 =	sld [smem:$0x3FFE];
	[sflag:s5] =	ssyncadd.remote.s32 @!p0 $0x1  }
0xb4: {  	s26 =	simm.s32 $execute0_lowered;
	[smem:$0x3FD2] =	sst s25  }
0xb5: {  	s6 =	sshll.u32 s26, $0x1;
	_ =	strace $0x80000049;
	[dreg:$0x1] =	wrdreg $0xFFFFFFFF  }
0xb6: {  	s28 =	simm.s32 $_size_execute0_lowered;
	s4 =	sadd.s32 s4, s6;
	[dreg:$0x0] =	wrdreg $0x0  }
0xb7: {  	s6 =	sshll.u32 s28, $0x1;
	[dreg:$0x2] =	wrdreg s4  }
0xb8: {  	[dreg:$0x3] =	wrdreg s6  }
0xb9: {  	[dreg:$0x4] =	wrdreg $0xC0  }
0xba: {  	_ =	task [dreg:s22], $0x5FFFF  }
0xbb: {  	[dreg:$0x1] =	wrdreg $0xFFFFFFFF  }
0xbc: {  	[dreg:$0x0] =	wrdreg $0x60  }
0xbd: {  	[dreg:$0x2] =	wrdreg s24  }
0xbe: {  	[dreg:$0x3] =	wrdreg s18  }
0xbf: {  	[dreg:$0x4] =	wrdreg $0xA  }
0xc0: {  	_ =	task.clear_ibuf [dreg:s22], $0x5FFFF;
	_ =	strace $0x90000049  }
0xc1: {  	s29 =	simm.s32 $0xA;
	_ =	strace $0x8000004B  }
0xc2: {  	_ =	swait.ge [sflag:s29], $0x1  }
0xc3: {  	[sflag:s29] =	ssyncadd.s32 $0xFFFFFFFF  }
0xc4: {  	_ =	strace $0x9000004B  }
0xc5: {  	_ =	sfence  }
0xc6: {  	s30 =	sld [smem:$0x0];
	_ =	sdelay $0x2  }
0xc7: {  	s31 =	sshll.u32 s1, $0xD;
	s1 =	sshrl.u32 s1, $0x2  }
0xc8: {  	s4 =	sand.u32 $0x4000, s31;
	s1 =	sadd.s32 s1, s30  }
0xc9: {  	s0 =	sor.u32 s4, s0;
	s1 =	sshll.u32 s1, $0x11  }
0xca: {  	s0 =	sor.u32 s1, s0  }
0xcb: {  	s0 =	sadd.s32 $0x8F2B, s0  }
0xcc: {  	[sflag:s0] =	ssyncadd.remote.s32 $0x1  }
0xcd: {  	_ =	sfence.sel $0xFFFF  }
0xce: {  	[dreg:$0x0] =	wrdreg $0xFFFFFFFF;
	(pc) =	sbr.abs _section_cstart, $3  }
0xcf: {  	[dreg:$0x1] =	wrdreg $0xFFFFFFFF  }
0xd0: {  	_ =	task.clear_ibuf [dreg:s22], $0x2FFFF;
	_ =	strace $0x9FFFFFFF  }
0xd1: {  	(tm) =	ssettm $0x7FFFFFFF  }
tec
execute0_lowered:
.L_overlay_start_1:
0x0: {  	(tag) =	ssettag $0x1  }
0x1: {  	s0 =	srdreg.scid  }
0x2: {  	s2 =	stileid.u32;
	s1 =	rddreg [dreg:$0x0]  }
0x3: {  	s11 =	simm.s32 $0x5;
	s12 =	simm.s32 $0x6;
	s13 =	simm.s32 $0x7  }
0x4: {  	s14 =	simm.s32 $0x8;
	s15 =	simm.s32 $0x0;
	s0 =	sand.u32 $0x1, s0  }
0x5: {  	s3 =	sshll.u32 s2, $0x9;
	s2 =	rddreg [dreg:$0x1];
	s4 =	sshll.u32 s0, $0x8  }
0x6: {  	s0 =	ssub.s32 $0x2, s0;
	s6 =	sadd.s32 $0x200, s2;
	s4 =	sor.u32 s4, s3  }
0x7: {  	s3 =	simm.s32 $0x0;
	s31 =	sshrl.u32 s0, $0x1;
	s4 =	sshrl.u32 s4, $0x3  }
0x8: {  	[smem:$0x7FF] =	sst s3;
	s0 =	ssub.s32 s0, s31;
	s5 =	smul.u32 $0x300, s4  }
0x9: {  	v2 =	vlaneseq.u32;
	_ =	strace $0x8000004A;
	s4 =	sadd.s32 s4, s1;
	s0 =	smax.u32 s0, $0x1  }
0xa: {  	vm0 =	vmmov $0xffff;
	v1 =	vshrl.u32 v2, $0x3;
	s4 =	sadd.s32 $0xC1A00, s4;
	[dreg:$0x4] =	wrdreg s0;
	s1 =	sadd.s32 s5, s1  }
0xb: {  	v0 =	vand.u32 $0x7, v2;
	v2 =	vor.u32 $0x8, v2;
	v1 =	vmul.u32 $0x8, v1;
	[dreg:$0x3] =	wrdreg s4;
	s5 =	sadd.s32 $0x100, s2;
	s21 =	sadd.s32 $0xC1E00, s1  }
.LBB2_1:
0xc: {  	s0 =	rddreg [dreg:$0x3];
	s19 =	simm.s32 $0x9  }
0xd: {  	[tilespmem:s3], [sflag:$0x9] =	stream.linear.gather [hbm4b:s0+s3], $0x100, $0x38;
	[tilespmem:$0x18100] =	vst v63  }
0xe: {  	_ =	swait.ge [sflag:s19], $0x100  }
0xf: {  	[sflag:s19] =	ssyncset.done $0x0  }
0x10: {  	[sflag:s19] =	ssyncadd.s32 $0xFFFFFF00  }
0x11: {  	v3 =	vld [tilespmem:$0x0];
	_ =	sdelay $0x4  }
0x12: {  	v4 =	vshrl.u32 v3, $0x3  }
0x13: {  	v4 =	vmul.u32 $0x30, v4  }
0x14: {  	v3 =	vand.u32 $0x7, v3  }
0x15: {  	v3 =	vor.u32 v3, v4  }
0x16: {  	v4 =	vperm.xlane v3, v0;
	_ =	sdelay $0x1  }
0x17: {  	v4 =	vadd.s32 v1, v4;
	_ =	sdelay $0x3  }
0x18: {  	s20 =	simm.s32 $0x100;
	v3 =	vperm.xlane v3, v2  }
0x19: {  	[tilespmem:s20], [sflag:$0x1] =	stream.indirect_vreg.gather [hbm4b:s2+s3], $0x80, v4, vm0, $0xb8;
	[tilespmem:$0x18100] =	vst v63  }
0x1a: {  	s22 =	simm.s32 $0x900;
	v3 =	vadd.s32 v1, v3  }
0x1b: {  	[tilespmem:s22], [sflag:$0x1] =	stream.indirect_vreg.gather [hbm4b:s5+s3], $0x80, v4, vm0, $0xb8;
	[tilespmem:$0x18100] =	vst v63  }
0x1c: {  	s23 =	simm.s32 $0x1100  }
0x1d: {  	[tilespmem:s23], [sflag:$0x1] =	stream.indirect_vreg.gather [hbm4b:s6+s3], $0x80, v4, vm0, $0xb8;
	[tilespmem:$0x18100] =	vst v63  }
0x1e: {  	s24 =	simm.s32 $0x1900  }
0x1f: {  	[tilespmem:s24], [sflag:$0x1] =	stream.indirect_vreg.gather [hbm4b:s2+s3], $0x80, v3, vm0, $0xb8;
	[tilespmem:$0x18100] =	vst v63  }
0x20: {  	s25 =	simm.s32 $0x2100  }
0x21: {  	[tilespmem:s25], [sflag:$0x1] =	stream.indirect_vreg.gather [hbm4b:s5+s3], $0x80, v3, vm0, $0xb8;
	[tilespmem:$0x18100] =	vst v63  }
0x22: {  	s26 =	simm.s32 $0x2900  }
0x23: {  	[tilespmem:s26], [sflag:$0x1] =	stream.indirect_vreg.gather [hbm4b:s6+s3], $0x80, v3, vm0, $0xb8;
	[tilespmem:$0x18100] =	vst v63  }
0x24: {  	v3 =	vld [tilespmem:$0x10];
	_ =	sdelay $0x4  }
0x25: {  	v4 =	vshrl.u32 v3, $0x3  }
0x26: {  	v4 =	vmul.u32 $0x30, v4  }
0x27: {  	v3 =	vand.u32 $0x7, v3  }
0x28: {  	v3 =	vor.u32 v3, v4  }
0x29: {  	v4 =	vperm.xlane v3, v0;
	_ =	sdelay $0x1  }
0x2a: {  	v4 =	vadd.s32 v1, v4;
	_ =	sdelay $0x3  }
0x2b: {  	s28 =	simm.s32 $0x3100;
	v3 =	vperm.xlane v3, v2  }
0x2c: {  	[tilespmem:s28], [sflag:$0x1] =	stream.indirect_vreg.gather [hbm4b:s2+s3], $0x80, v4, vm0, $0xb8;
	[tilespmem:$0x18100] =	vst v63  }
0x2d: {  	s31 =	simm.s32 $0x3900;
	v3 =	vadd.s32 v1, v3  }
0x2e: {  	[tilespmem:s31], [sflag:$0x1] =	stream.indirect_vreg.gather [hbm4b:s5+s3], $0x80, v4, vm0, $0xb8;
	[tilespmem:$0x18100] =	vst v63  }
0x2f: {  	s1 =	simm.s32 $0x4100  }
0x30: {  	[tilespmem:s1], [sflag:$0x1] =	stream.indirect_vreg.gather [hbm4b:s6+s3], $0x80, v4, vm0, $0xb8;
	[tilespmem:$0x18100] =	vst v63  }
0x31: {  	s4 =	simm.s32 $0x4900  }
0x32: {  	[tilespmem:s4], [sflag:$0x1] =	stream.indirect_vreg.gather [hbm4b:s2+s3], $0x80, v3, vm0, $0xb8;
	[tilespmem:$0x18100] =	vst v63  }
0x33: {  	s7 =	simm.s32 $0x5100  }
0x34: {  	[tilespmem:s7], [sflag:$0x1] =	stream.indirect_vreg.gather [hbm4b:s5+s3], $0x80, v3, vm0, $0xb8;
	[tilespmem:$0x18100] =	vst v63  }
0x35: {  	s8 =	simm.s32 $0x5900  }
0x36: {  	[tilespmem:s8], [sflag:$0x1] =	stream.indirect_vreg.gather [hbm4b:s6+s3], $0x80, v3, vm0, $0xb8;
	[tilespmem:$0x18100] =	vst v63  }
0x37: {  	v3 =	vld [tilespmem:$0x20];
	_ =	sdelay $0x4  }
0x38: {  	v4 =	vshrl.u32 v3, $0x3  }
0x39: {  	v4 =	vmul.u32 $0x30, v4  }
0x3a: {  	v3 =	vand.u32 $0x7, v3  }
0x3b: {  	v3 =	vor.u32 v3, v4  }
0x3c: {  	v4 =	vperm.xlane v3, v0;
	_ =	sdelay $0x1  }
0x3d: {  	v4 =	vadd.s32 v1, v4;
	_ =	sdelay $0x3  }
0x3e: {  	s9 =	simm.s32 $0x6100;
	v3 =	vperm.xlane v3, v2  }
0x3f: {  	[tilespmem:s9], [sflag:$0x2] =	stream.indirect_vreg.gather [hbm4b:s2+s3], $0x80, v4, vm0, $0xb8;
	[tilespmem:$0x18100] =	vst v63  }
0x40: {  	s10 =	simm.s32 $0x6900;
	v3 =	vadd.s32 v1, v3  }
0x41: {  	[tilespmem:s10], [sflag:$0x2] =	stream.indirect_vreg.gather [hbm4b:s5+s3], $0x80, v4, vm0, $0xb8;
	[tilespmem:$0x18100] =	vst v63  }
0x42: {  	s16 =	simm.s32 $0x7100  }
0x43: {  	[tilespmem:s16], [sflag:$0x2] =	stream.indirect_vreg.gather [hbm4b:s6+s3], $0x80, v4, vm0, $0xb8;
	[tilespmem:$0x18100] =	vst v63  }
0x44: {  	s17 =	simm.s32 $0x7900  }
0x45: {  	[tilespmem:s17], [sflag:$0x2] =	stream.indirect_vreg.gather [hbm4b:s2+s3], $0x80, v3, vm0, $0xb8;
	[tilespmem:$0x18100] =	vst v63  }
0x46: {  	s18 =	simm.s32 $0x8100  }
0x47: {  	[tilespmem:s18], [sflag:$0x2] =	stream.indirect_vreg.gather [hbm4b:s5+s3], $0x80, v3, vm0, $0xb8;
	[tilespmem:$0x18100] =	vst v63  }
0x48: {  	s19 =	simm.s32 $0x8900  }
0x49: {  	[tilespmem:s19], [sflag:$0x2] =	stream.indirect_vreg.gather [hbm4b:s6+s3], $0x80, v3, vm0, $0xb8;
	[tilespmem:$0x18100] =	vst v63  }
0x4a: {  	v3 =	vld [tilespmem:$0x30];
	_ =	sdelay $0x4  }
0x4b: {  	v4 =	vshrl.u32 v3, $0x3  }
0x4c: {  	v4 =	vmul.u32 $0x30, v4  }
0x4d: {  	v3 =	vand.u32 $0x7, v3  }
0x4e: {  	v3 =	vor.u32 v3, v4  }
0x4f: {  	v4 =	vperm.xlane v3, v0;
	_ =	sdelay $0x1  }
0x50: {  	v4 =	vadd.s32 v1, v4;
	_ =	sdelay $0x3  }
0x51: {  	s20 =	simm.s32 $0x9100;
	v3 =	vperm.xlane v3, v2  }
0x52: {  	[tilespmem:s20], [sflag:$0x2] =	stream.indirect_vreg.gather [hbm4b:s2+s3], $0x80, v4, vm0, $0xb8;
	[tilespmem:$0x18100] =	vst v63  }
0x53: {  	s22 =	simm.s32 $0x9900;
	v3 =	vadd.s32 v1, v3  }
0x54: {  	[tilespmem:s22], [sflag:$0x2] =	stream.indirect_vreg.gather [hbm4b:s5+s3], $0x80, v4, vm0, $0xb8;
	[tilespmem:$0x18100] =	vst v63  }
0x55: {  	p1 =	por $0x0, $0x0;
	s23 =	simm.s32 $0xA100  }
0x56: {  	[tilespmem:s23], [sflag:$0x2] =	stream.indirect_vreg.gather [hbm4b:s6+s3], $0x80, v4, vm0, $0xb8;
	[tilespmem:$0x18100] =	vst v63  }
0x57: {  	p0 =	por @!p1 $0x1, $0x1;
	s24 =	simm.s32 $0xA900;
	s28 =	simm.s32 $0x2  }
0x58: {  	[tilespmem:s24], [sflag:$0x2] =	stream.indirect_vreg.gather [hbm4b:s2+s3], $0x80, v3, vm0, $0xb8;
	[tilespmem:$0x18100] =	vst v63  }
0x59: {  	p0 =	por p0, p1;
	s25 =	simm.s32 $0xB100;
	s0 =	sand.u32 $0x3, s28  }
0x5a: {  	[tilespmem:s25], [sflag:$0x2] =	stream.indirect_vreg.gather [hbm4b:s5+s3], $0x80, v3, vm0, $0xb8;
	[tilespmem:$0x18100] =	vst v63  }
0x5b: {  	s26 =	simm.s32 $0xB900;
	s1 =	sadd.s32 @!p0 $0x5, s0  }
0x5c: {  	[tilespmem:s26], [sflag:$0x2] =	stream.indirect_vreg.gather [hbm4b:s6+s3], $0x80, v3, vm0, $0xb8;
	[tilespmem:$0x18100] =	vst v63  }
0x5d: {  	_ =	swait.ge @!p0 [sflag:s1], $0x6000  }
0x5e: {  	[sflag:s1] =	ssyncset.done @!p0 $0x0  }
0x5f: {  	s8 =	simm.s32 $0x50;
	[sflag:s1] =	ssyncadd.s32 @!p0 $0xFFFFA000;
	p0 =	por p1, p1  }
0x60: {  	v3 =	vld @!p0 [tilespmem:s8+$0xFFFFFFF0];
	_ =	sdelay $0x4  }
0x61: {  	v4 =	vshrl.u32 @!p0 v3, $0x3  }
0x62: {  	v4 =	vmul.u32 @!p0 $0x30, v4  }
0x63: {  	v5 =	vlaneseq.u32 @!p1;
	v3 =	vand.u32 @!p0 $0x7, v3  }
0x64: {  	v6 =	vand.u32 @!p0 $0x7, v5;
	v7 =	vshrl.u32 @!p0 v5, $0x3;
	v3 =	vor.u32 @!p0 v3, v4  }
0x65: {  	v4 =	vmul.u32 @!p0 $0x8, v7;
	v7 =	vperm.xlane @!p0 v3, v6;
	_ =	sdelay $0x1  }
0x66: {  	v7 =	vadd.s32 @!p0 v4, v7  }
0x67: {  	s1 =	smul.u32 @!p1 $0x18000, s0;
	_ =	sdelay $0x1  }
0x68: {  	v5 =	vor.u32 @!p1 $0x8, v5;
	s1 =	sshrl.u32 @!p1 s1, $0x2  }
0x69: {  	s20 =	sadd.s32 @!p0 $0x1, s0;
	vm1 =	vmmov @!p0 $0xffff;
	s22 =	simm.s32 @!p0 $0x0;
	s0 =	sor.u32 @!p0 $0x100, s1;
	v3 =	vperm.xlane @!p0 v3, v5  }
0x6a: {  	[tilespmem:s0], [sflag:s20] =	stream.indirect_vreg.gather @!p0 [hbm4b:s2+s22], $0x80, v7, vm1, $0xb8;
	[tilespmem:$0x18100] =	vst v63  }
0x6b: {  	v3 =	vadd.s32 @!p0 v4, v3;
	s0 =	sor.u32 @!p1 $0x900, s1  }
0x6c: {  	[tilespmem:s0], [sflag:s20] =	stream.indirect_vreg.gather @!p0 [hbm4b:s5+s22], $0x80, v7, vm1, $0xb8;
	[tilespmem:$0x18100] =	vst v63  }
0x6d: {  	s0 =	sor.u32 @!p1 $0x1100, s1  }
0x6e: {  	[tilespmem:s0], [sflag:s20] =	stream.indirect_vreg.gather @!p0 [hbm4b:s6+s22], $0x80, v7, vm1, $0xb8;
	[tilespmem:$0x18100] =	vst v63  }
0x6f: {  	s0 =	sor.u32 @!p1 $0x1900, s1  }
0x70: {  	[tilespmem:s0], [sflag:s20] =	stream.indirect_vreg.gather @!p0 [hbm4b:s2+s22], $0x80, v3, vm1, $0xb8;
	[tilespmem:$0x18100] =	vst v63  }
0x71: {  	s0 =	sadd.s32 @!p1 $0x2100, s1  }
0x72: {  	[tilespmem:s0], [sflag:s20] =	stream.indirect_vreg.gather @!p0 [hbm4b:s5+s22], $0x80, v3, vm1, $0xb8;
	[tilespmem:$0x18100] =	vst v63  }
0x73: {  	s0 =	sadd.s32 @!p1 $0x2900, s1  }
0x74: {  	[tilespmem:s0], [sflag:s20] =	stream.indirect_vreg.gather @!p0 [hbm4b:s6+s22], $0x80, v3, vm1, $0xb8;
	[tilespmem:$0x18100] =	vst v63  }
0x75: {  	v3 =	vld @!p0 [tilespmem:s8+$0x0];
	_ =	sdelay $0x4  }
0x76: {  	v7 =	vshrl.u32 @!p0 v3, $0x3  }
0x77: {  	v7 =	vmul.u32 @!p0 $0x30, v7  }
0x78: {  	v3 =	vand.u32 @!p0 $0x7, v3  }
0x79: {  	v3 =	vor.u32 @!p0 v3, v7  }
0x7a: {  	v6 =	vperm.xlane @!p0 v3, v6;
	_ =	sdelay $0x1  }
0x7b: {  	v6 =	vadd.s32 @!p0 v4, v6;
	_ =	sdelay $0x1  }
0x7c: {  	s31 =	simm.s32 $0x3  }
0x7d: {  	p2 =	por $0x0, $0x0;
	s29 =	sand.u32 $0x3, s31;
	s10 =	sand.u32 $0x3, s3  }
0x7e: {  	s30 =	smul.u32 $0x18000, s10;
	s16 =	simm.s32 $0x1;
	s0 =	sadd.s32 @!p0 $0x3100, s1  }
0x7f: {  	[tilespmem:s0], [sflag:s20] =	stream.indirect_vreg.gather @!p0 [hbm4b:s2+s22], $0x80, v6, vm1, $0xb8;
	[tilespmem:$0x18100] =	vst v63  }
0x80: {  	s17 =	sadd.s32 $0xC00, s21;
	s18 =	simm.s32 $0x70;
	v3 =	vperm.xlane @!p0 v3, v5;
	s0 =	sadd.s32 @!p1 $0x3900, s1  }
0x81: {  	[tilespmem:s0], [sflag:s20] =	stream.indirect_vreg.gather @!p0 [hbm4b:s5+s22], $0x80, v6, vm1, $0xb8;
	[tilespmem:$0x18100] =	vst v63  }
0x82: {  	s19 =	simm.s32 $0x2;
	s24 =	sadd.s32 @!p1 $0x4900, s1;
	s8 =	sadd.s32 @!p1 $0x4100, s1;
	v4 =	vadd.s32 @!p0 v4, v3  }
0x83: {  	[tilespmem:s8], [sflag:s20] =	stream.indirect_vreg.gather @!p0 [hbm4b:s6+s22], $0x80, v6, vm1, $0xb8;
	[tilespmem:$0x18100] =	vst v63  }
0x84: {  	s25 =	sadd.s32 @!p1 $0x5100, s1;
	s23 =	sadd.s32 @!p1 $0x5900, s1;
	v3 =	vlaneseq.u32 @!p2;
	s8 =	smov.u32 s21  }
.LBB2_2:
0x85: {  	p3 =	slt.u32 @!p2 s16, $0x2;
	s0 =	smul.u32 @!p2 $0x18000, s29  }
0x86: {  	s26 =	smov.u32 s16;
	s16 =	smov.u32 s19;
	s19 =	sadd.s32 $0x1, s19  }
0x87: {  	[tilespmem:s24], [sflag:s20] =	stream.indirect_vreg.gather @!p0 [hbm4b:s2+s22], $0x80, v4, vm1, $0xb8;
	[tilespmem:$0x18100] =	vst v63  }
0x88: {  	p1 =	sne.s32 s19, $0x8;
	p3 =	por p3, p2;
	s31 =	sshrl.u32 @!p2 s0, $0x2  }
0x89: {  	[tilespmem:s25], [sflag:s20] =	stream.indirect_vreg.gather @!p0 [hbm4b:s5+s22], $0x80, v4, vm1, $0xb8;
	[tilespmem:$0x18100] =	vst v63  }
0x8a: {  	s24 =	sshrl.u32 s30, $0x2;
	s0 =	sor.u32 @!p2 $0x900, s31;
	s1 =	sor.u32 @!p2 $0x1100, s31  }
0x8b: {  	s7 =	sadd.s32 $0x5, s10;
	s4 =	sor.u32 $0x100, s24;
	s25 =	sadd.s32 $0x1, s10  }
0x8c: {  	[tilespmem:s23], [sflag:s20] =	stream.indirect_vreg.gather @!p0 [hbm4b:s6+s22], $0x80, v4, vm1, $0xb8;
	[tilespmem:$0x18100] =	vst v63  }
0x8d: {  	s10 =	sor.u32 @!p2 $0x1900, s31;
	s30 =	sadd.s32 @!p2 $0x3900, s31;
	_ =	swait.ge [sflag:s25], $0x6000  }
0x8e: {  	s28 =	sadd.s32 @!p2 $0x4100, s31;
	s24 =	sadd.s32 @!p2 $0x4900, s31;
	[sflag:s25] =	ssyncset.done $0x0  }
0x8f: {  	s9 =	sadd.s32 @!p2 $0x2100, s31;
	s20 =	sadd.s32 @!p3 $0x5, s29;
	[sflag:s25] =	ssyncadd.s32 $0xFFFFA000  }
0x90: {  	[hbm4b:s8+s3] =	stream.linear.scatter [tilespmem:s4], [sflag:s7], $0x6000, $0x38;
	[tilespmem:$0x18100] =	vst v63  }
0x91: {  	s25 =	sadd.s32 @!p2 $0x5100, s31;
	s4 =	sadd.s32 @!p2 $0x2900, s31;
	_ =	swait.ge @!p3 [sflag:s20], $0x6000  }
0x92: {  	s23 =	sadd.s32 @!p2 $0x5900, s31;
	s8 =	smov.u32 s17;
	[sflag:s20] =	ssyncset.done @!p3 $0x0  }
0x93: {  	v4 =	vor.u32 @!p2 $0x8, v3;
	p0 =	por p2, p2;
	[sflag:s20] =	ssyncadd.s32 @!p3 $0xFFFFA000  }
0x94: {  	v6 =	vand.u32 @!p0 $0x7, v3;
	v3 =	vshrl.u32 @!p0 v3, $0x3;
	v5 =	vld @!p0 [tilespmem:s18+$0xFFFFFFF0]  }
0x95: {  	v3 =	vmul.u32 @!p0 $0x8, v3;
	_ =	sdelay $0x3  }
0x96: {  	v7 =	vshrl.u32 @!p0 v5, $0x3;
	v5 =	vand.u32 @!p0 $0x7, v5  }
0x97: {  	v7 =	vmul.u32 @!p0 $0x30, v7  }
0x98: {  	vm1 =	vmmov @!p0 $0xffff;
	s22 =	simm.s32 @!p0 $0x0;
	s20 =	sadd.s32 @!p0 $0x1, s29  }
0x99: {  	v5 =	vor.u32 @!p0 v5, v7  }
0x9a: {  	v7 =	vperm.xlane @!p0 v5, v6;
	v5 =	vperm.xlane @!p0 v5, v4  }
0x9b: {  	s7 =	sor.u32 @!p0 $0x100, s31  }
0x9c: {  	v7 =	vadd.s32 @!p0 v3, v7;
	_ =	sdelay $0x4  }
0x9d: {  	[tilespmem:s7], [sflag:s20] =	stream.indirect_vreg.gather @!p0 [hbm4b:s2+s22], $0x80, v7, vm1, $0xb8;
	[tilespmem:$0x18100] =	vst v63  }
0x9e: {  	v5 =	vadd.s32 @!p0 v3, v5  }
0x9f: {  	[tilespmem:s0], [sflag:s20] =	stream.indirect_vreg.gather @!p0 [hbm4b:s5+s22], $0x80, v7, vm1, $0xb8;
	[tilespmem:$0x18100] =	vst v63  }
0xa0: {  	_ = 	snop  }
0xa1: {  	[tilespmem:s1], [sflag:s20] =	stream.indirect_vreg.gather @!p0 [hbm4b:s6+s22], $0x80, v7, vm1, $0xb8;
	[tilespmem:$0x18100] =	vst v63  }
0xa2: {  	_ = 	snop  }
0xa3: {  	[tilespmem:s10], [sflag:s20] =	stream.indirect_vreg.gather @!p0 [hbm4b:s2+s22], $0x80, v5, vm1, $0xb8;
	[tilespmem:$0x18100] =	vst v63  }
0xa4: {  	_ = 	snop  }
0xa5: {  	[tilespmem:s9], [sflag:s20] =	stream.indirect_vreg.gather @!p0 [hbm4b:s5+s22], $0x80, v5, vm1, $0xb8;
	[tilespmem:$0x18100] =	vst v63  }
0xa6: {  	_ = 	snop  }
0xa7: {  	[tilespmem:s4], [sflag:s20] =	stream.indirect_vreg.gather @!p0 [hbm4b:s6+s22], $0x80, v5, vm1, $0xb8;
	[tilespmem:$0x18100] =	vst v63  }
0xa8: {  	v5 =	vld @!p0 [tilespmem:s18+$0x0];
	_ =	sdelay $0x4  }
0xa9: {  	v7 =	vshrl.u32 @!p0 v5, $0x3;
	v5 =	vand.u32 @!p0 $0x7, v5  }
0xaa: {  	v7 =	vmul.u32 @!p0 $0x30, v7;
	_ =	sdelay $0x1  }
0xab: {  	v5 =	vor.u32 @!p0 v5, v7  }
0xac: {  	v6 =	vperm.xlane @!p0 v5, v6;
	v4 =	vperm.xlane @!p0 v5, v4  }
0xad: {  	s0 =	sadd.s32 @!p0 $0x3100, s31  }
0xae: {  	v5 =	vadd.s32 @!p0 v3, v6  }
0xaf: {  	v4 =	vadd.s32 @!p0 v3, v4;
	_ =	sdelay $0x2  }
0xb0: {  	s18 =	sadd.s32 $0x20, s18  }
0xb1: {  	[tilespmem:s0], [sflag:s20] =	stream.indirect_vreg.gather @!p0 [hbm4b:s2+s22], $0x80, v5, vm1, $0xb8;
	[tilespmem:$0x18100] =	vst v63  }
.Ltmp0:
0xb2: {  	_ = 	snop;
	(pc) =	sbr.rel @p1 .LBB2_2-.Ltmp0, $4  }
0xb3: {  	s17 =	sadd.s32 $0xC00, s17;
	s10 =	sand.u32 $0x3, s26;
	s0 =	sadd.s32 $0x2, s16  }
0xb4: {  	[tilespmem:s30], [sflag:s20] =	stream.indirect_vreg.gather @!p0 [hbm4b:s5+s22], $0x80, v5, vm1, $0xb8;
	[tilespmem:$0x18100] =	vst v63  }
0xb5: {  	p2 =	sgt.u32 s16, $0x5;
	s29 =	sand.u32 $0x3, s0;
	s30 =	smul.u32 $0x18000, s10  }
0xb6: {  	v3 =	vlaneseq.u32 @!p2;
	[tilespmem:s28], [sflag:s20] =	stream.indirect_vreg.gather @!p0 [hbm4b:s6+s22], $0x80, v5, vm1, $0xb8;
	[tilespmem:$0x18100] =	vst v63  }
0xb7: {  	_ =	sdelay $0x3  }
0xb8: {  	[tilespmem:s24], [sflag:s20] =	stream.indirect_vreg.gather @!p0 [hbm4b:s2+s22], $0x80, v4, vm1, $0xb8;
	[tilespmem:$0x18100] =	vst v63  }
0xb9: {  	_ = 	snop  }
0xba: {  	[tilespmem:s25], [sflag:s20] =	stream.indirect_vreg.gather @!p0 [hbm4b:s5+s22], $0x80, v4, vm1, $0xb8;
	[tilespmem:$0x18100] =	vst v63  }
0xbb: {  	s0 =	sadd.s32 $0x1, s10  }
0xbc: {  	[tilespmem:s23], [sflag:s20] =	stream.indirect_vreg.gather @!p0 [hbm4b:s6+s22], $0x80, v4, vm1, $0xb8;
	[tilespmem:$0x18100] =	vst v63  }
0xbd: {  	s26 =	sshrl.u32 s30, $0x2;
	_ =	swait.ge [sflag:s0], $0x6000  }
0xbe: {  	s1 =	sadd.s32 $0x5, s10;
	p0 =	slt.u32 @!p2 s16, $0x2;
	[sflag:s0] =	ssyncset.done $0x0  }
0xbf: {  	p0 =	por p0, p2;
	[sflag:s0] =	ssyncadd.s32 $0xFFFFA000;
	s0 =	sor.u32 $0x100, s26  }
0xc0: {  	[hbm4b:s8+s3] =	stream.linear.scatter [tilespmem:s0], [sflag:s1], $0x6000, $0x38;
	[tilespmem:$0x18100] =	vst v63  }
0xc1: {  	s0 =	sadd.s32 @!p0 $0x5, s29  }
0xc2: {  	_ =	swait.ge @!p0 [sflag:s0], $0x6000  }
0xc3: {  	[sflag:s0] =	ssyncset.done @!p0 $0x0  }
0xc4: {  	[sflag:s0] =	ssyncadd.s32 @!p0 $0xFFFFA000;
	p0 =	por p2, p2  }
0xc5: {  	v4 =	vld @!p0 [tilespmem:s18+$0xFFFFFFF0];
	_ =	sdelay $0x4  }
0xc6: {  	v5 =	vshrl.u32 @!p0 v4, $0x3  }
0xc7: {  	v5 =	vmul.u32 @!p0 $0x30, v5  }
0xc8: {  	v4 =	vand.u32 @!p0 $0x7, v4  }
0xc9: {  	v6 =	vand.u32 @!p0 $0x7, v3;
	v7 =	vshrl.u32 @!p0 v3, $0x3;
	v4 =	vor.u32 @!p0 v4, v5  }
0xca: {  	v5 =	vmul.u32 @!p0 $0x8, v7;
	v7 =	vperm.xlane @!p0 v4, v6;
	_ =	sdelay $0x1  }
0xcb: {  	v7 =	vadd.s32 @!p0 v5, v7  }
0xcc: {  	s0 =	smul.u32 @!p2 $0x18000, s29;
	_ =	sdelay $0x1  }
0xcd: {  	v3 =	vor.u32 @!p2 $0x8, v3;
	s0 =	sshrl.u32 @!p2 s0, $0x2  }
0xce: {  	s1 =	sadd.s32 @!p0 $0x1, s29;
	vm1 =	vmmov @!p0 $0xffff;
	s4 =	simm.s32 @!p0 $0x0;
	s7 =	sor.u32 @!p0 $0x100, s0;
	v4 =	vperm.xlane @!p0 v4, v3  }
0xcf: {  	[tilespmem:s7], [sflag:s1] =	stream.indirect_vreg.gather @!p0 [hbm4b:s2+s4], $0x80, v7, vm1, $0xb8;
	[tilespmem:$0x18100] =	vst v63  }
0xd0: {  	v4 =	vadd.s32 @!p0 v5, v4;
	s7 =	sor.u32 @!p2 $0x900, s0  }
0xd1: {  	[tilespmem:s7], [sflag:s1] =	stream.indirect_vreg.gather @!p0 [hbm4b:s5+s4], $0x80, v7, vm1, $0xb8;
	[tilespmem:$0x18100] =	vst v63  }
0xd2: {  	s7 =	sor.u32 @!p2 $0x1100, s0  }
0xd3: {  	[tilespmem:s7], [sflag:s1] =	stream.indirect_vreg.gather @!p0 [hbm4b:s6+s4], $0x80, v7, vm1, $0xb8;
	[tilespmem:$0x18100] =	vst v63  }
0xd4: {  	s7 =	sor.u32 @!p2 $0x1900, s0  }
0xd5: {  	[tilespmem:s7], [sflag:s1] =	stream.indirect_vreg.gather @!p0 [hbm4b:s2+s4], $0x80, v4, vm1, $0xb8;
	[tilespmem:$0x18100] =	vst v63  }
0xd6: {  	s7 =	sadd.s32 @!p2 $0x2100, s0  }
0xd7: {  	[tilespmem:s7], [sflag:s1] =	stream.indirect_vreg.gather @!p0 [hbm4b:s5+s4], $0x80, v4, vm1, $0xb8;
	[tilespmem:$0x18100] =	vst v63  }
0xd8: {  	s7 =	sadd.s32 @!p2 $0x2900, s0  }
0xd9: {  	[tilespmem:s7], [sflag:s1] =	stream.indirect_vreg.gather @!p0 [hbm4b:s6+s4], $0x80, v4, vm1, $0xb8;
	[tilespmem:$0x18100] =	vst v63  }
0xda: {  	v4 =	vld @!p0 [tilespmem:s18+$0x0];
	_ =	sdelay $0x4  }
0xdb: {  	v7 =	vshrl.u32 @!p0 v4, $0x3  }
0xdc: {  	v7 =	vmul.u32 @!p0 $0x30, v7  }
0xdd: {  	v4 =	vand.u32 @!p0 $0x7, v4  }
0xde: {  	v4 =	vor.u32 @!p0 v4, v7  }
0xdf: {  	v6 =	vperm.xlane @!p0 v4, v6;
	_ =	sdelay $0x1  }
0xe0: {  	v6 =	vadd.s32 @!p0 v5, v6;
	_ =	sdelay $0x3  }
0xe1: {  	s7 =	sadd.s32 @!p0 $0x3100, s0;
	v3 =	vperm.xlane @!p0 v4, v3  }
0xe2: {  	[tilespmem:s7], [sflag:s1] =	stream.indirect_vreg.gather @!p0 [hbm4b:s2+s4], $0x80, v6, vm1, $0xb8;
	[tilespmem:$0x18100] =	vst v63  }
0xe3: {  	v3 =	vadd.s32 @!p0 v5, v3;
	s7 =	sadd.s32 @!p2 $0x3900, s0  }
0xe4: {  	[tilespmem:s7], [sflag:s1] =	stream.indirect_vreg.gather @!p0 [hbm4b:s5+s4], $0x80, v6, vm1, $0xb8;
	[tilespmem:$0x18100] =	vst v63  }
0xe5: {  	s7 =	sadd.s32 @!p2 $0x4100, s0  }
0xe6: {  	[tilespmem:s7], [sflag:s1] =	stream.indirect_vreg.gather @!p0 [hbm4b:s6+s4], $0x80, v6, vm1, $0xb8;
	[tilespmem:$0x18100] =	vst v63  }
0xe7: {  	s7 =	sadd.s32 @!p2 $0x4900, s0  }
0xe8: {  	[tilespmem:s7], [sflag:s1] =	stream.indirect_vreg.gather @!p0 [hbm4b:s2+s4], $0x80, v3, vm1, $0xb8;
	[tilespmem:$0x18100] =	vst v63  }
0xe9: {  	s28 =	sand.u32 $0x3, s16;
	s7 =	sadd.s32 @!p2 $0x5100, s0  }
0xea: {  	[tilespmem:s7], [sflag:s1] =	stream.indirect_vreg.gather @!p0 [hbm4b:s5+s4], $0x80, v3, vm1, $0xb8;
	[tilespmem:$0x18100] =	vst v63  }
0xeb: {  	s30 =	sadd.s32 $0x1, s28;
	s29 =	smul.u32 $0x18000, s28;
	s0 =	sadd.s32 @!p2 $0x5900, s0  }
0xec: {  	[tilespmem:s0], [sflag:s1] =	stream.indirect_vreg.gather @!p0 [hbm4b:s6+s4], $0x80, v3, vm1, $0xb8;
	[tilespmem:$0x18100] =	vst v63  }
0xed: {  	_ =	swait.ge [sflag:s30], $0x6000  }
0xee: {  	s1 =	sshrl.u32 s29, $0x2;
	[sflag:s30] =	ssyncset.done $0x0  }
0xef: {  	s0 =	sadd.s32 $0x5, s28;
	s1 =	sor.u32 $0x100, s1;
	[sflag:s30] =	ssyncadd.s32 $0xFFFFA000  }
0xf0: {  	[hbm4b:s17+s3] =	stream.linear.scatter [tilespmem:s1], [sflag:s0], $0x6000, $0x38;
	[tilespmem:$0x18100] =	vst v63  }
0xf1: {  	_ =	swait.ge [sflag:s11], $0x6000  }
0xf2: {  	[sflag:s11] =	ssyncset.done $0x0  }
0xf3: {  	[sflag:s11] =	ssyncadd.s32 $0xFFFFA000  }
0xf4: {  	_ =	swait.ge [sflag:s12], $0x6000  }
0xf5: {  	[sflag:s12] =	ssyncset.done $0x0  }
0xf6: {  	[sflag:s12] =	ssyncadd.s32 $0xFFFFA000  }
0xf7: {  	_ =	swait.ge [sflag:s13], $0x6000  }
0xf8: {  	[sflag:s13] =	ssyncset.done $0x0  }
0xf9: {  	[sflag:s13] =	ssyncadd.s32 $0xFFFFA000  }
0xfa: {  	_ =	swait.ge [sflag:s14], $0x6000  }
0xfb: {  	s15 =	sadd.s32 $0x1, s15;
	s31 =	rddreg [dreg:$0x4]  }
0xfc: {  	p0 =	sne.s32 s15, s31  }
.Ltmp1:
0xfd: {  	_ = 	snop;
	(pc) =	sbr.rel @p0 .LBB2_1-.Ltmp1, $3  }
0xfe: {  	_ =	sdelay $0x1  }
0xff: {  	[sflag:s14] =	ssyncset.done $0x0  }
0x100: {  	[sflag:s14] =	ssyncadd.s32 $0xFFFFA000  }
0x101: {  	_ =	sfence.sel $0x180000  }
0x102: {  	[bflag:$0x0] =	sbarrier.arrive $0xFFFF  }
0x103: {  	_ =	strace $0x9000004A  }
0x104: {  	s0 =	stileid.u32;
	[bflag:$0x2] =	sbarrier.arrive $0xFFFF  }
0x105: {  	p0 =	sne.s32 s0, $0x0;
	s0 =	rddreg [dreg:$0x2]  }
0x106: {  	s0 =	sadd.s32 @!p0 $0x100000, s0  }
0x107: {  	[sflag:s0] =	ssyncadd.tile.s32 @!p0 $0x1;
	_ =	shalt  }
.Lfunc_end2:
_tile_overlayer_lowered:
.L_overlay_start_2:
0x108: {  	(tag) =	ssettag $0x2  }
0x109: {  	s0 =	rddreg [dreg:$0x0];
	s2 =	stileid.u32  }
0x10a: {  	s1 =	rddreg [dreg:$0x1];
	p0 =	sne.s32 s2, $0x0  }
0x10b: {  	s3 =	rddreg [dreg:$0x2];
	[bflag:$0x3] =	sbarrier.arrive $0xFFFF;
	s2 =	simm.s32 @!p0 $0x1C09  }
0x10c: {  	[timem:s3], [sflag:s2] =	dma.local @!p0 [hbm:s0], s1  }
0x10d: {  	s0 =	simm.s32 @!p0 $0x9  }
0x10e: {  	_ =	swait.ge @!p0 [sflag:s0], s1  }
0x10f: {  	s1 =	ssub.s32 @!p0 $0x0, s1;
	[sflag:s0] =	ssyncset.done @!p0 $0x0  }
0x110: {  	[sflag:s0] =	ssyncadd.s32 @!p0 s1  }
0x111: {  	[bflag:$0x3] =	sbarrier.arrive $0xFFFF  }
0x112: {  	_ =	shalt  }

</sc_bundles>
